<compile_context>
chip_gen: v7x
topology: tpu7x:2x2x1
jax: 0.10.2.dev20260603
libtpu: 0.0.44.dev20260713+nightly
codegen_flags: <defaults>
</compile_context>

<pallas_src>
import functools

import jax
import jax.numpy as jnp
from jax import lax
from jax.experimental import pallas as pl
from jax.experimental.pallas import tpu as pltpu
from jax.experimental.pallas import tpu_sc as plsc

RANK = 64
KPAD = 1024
TILE = 256

_NC = 2
_NS = 16
_NW = _NC * _NS


_CH = 128
_PADW = 2 * RANK


def _make_sc_gather(total_rows: int):
    bpw = total_rows // _NW
    nch = bpw // _CH
    mesh = plsc.VectorSubcoreMesh(core_axis_name="c", subcore_axis_name="s")

    @functools.partial(
        pl.kernel,
        mesh=mesh,
        out_type=jax.ShapeDtypeStruct((total_rows, _PADW), jnp.float32),
        scratch_types=[
            pltpu.VMEM((nch, _CH), jnp.int32),
            pltpu.VMEM((_CH, _PADW), jnp.float32),
            pltpu.VMEM((_CH, _PADW), jnp.float32),
            pltpu.SemaphoreType.DMA,
            pltpu.SemaphoreType.DMA,
        ],
    )
    def gather(table_hbm, idx_hbm, out_hbm, idx_v, buf0, buf1, sem0, sem1):
        wid = lax.axis_index("s") * _NC + lax.axis_index("c")
        base = wid * bpw
        pltpu.sync_copy(idx_hbm.at[wid], idx_v)
        bufs = (buf0, buf1)
        sems = (sem0, sem1)
        copies = [None, None]
        for j in range(nch):
            copies[j % 2] = pltpu.async_copy(
                table_hbm.at[idx_v.at[j]], bufs[j % 2], sems[j % 2])
            if j >= 1:
                copies[(j - 1) % 2].wait()
                pltpu.sync_copy(bufs[(j - 1) % 2],
                                out_hbm.at[pl.ds(base + (j - 1) * _CH, _CH)])
        copies[(nch - 1) % 2].wait()
        pltpu.sync_copy(bufs[(nch - 1) % 2],
                        out_hbm.at[pl.ds(base + (nch - 1) * _CH, _CH)])

    return gather


def _normalize(x):
    norm = jnp.sqrt(jnp.sum(x * x, axis=1, keepdims=True))
    return x / jnp.maximum(norm, 1e-12)


def _tc_body(rel_ref, se_ref, oe_ref, nse_ref, noe_ref, rhi_ref,
             pexp_ref, qexp_ref,
             pos_ref, neg_ref, pregul_ref, nregul_ref, acc_ref):
    i = pl.program_id(0)
    nt = pl.num_programs(0)

    @pl.when(i == 0)
    def _init():
        acc_ref[0] = 0.0
        acc_ref[1] = 0.0
        acc_ref[2] = 0.0
        acc_ref[3] = 0.0
        acc_ref[4] = 0.0
        pregul_ref[...] = jnp.zeros_like(pregul_ref)
        nregul_ref[...] = jnp.zeros_like(nregul_ref)

    rel = rel_ref[...]
    iota = lax.broadcasted_iota(jnp.int32, (TILE, KPAD), 1)
    onehot = (rel == iota).astype(jnp.bfloat16)

    g = lax.dot_general(onehot, rhi_ref[...],
                        (((1,), (0,)), ((), ())),
                        preferred_element_type=jnp.float32)

    se = se_ref[0][:, :RANK]
    oe = oe_ref[0][:, :RANK]
    nse = nse_ref[0][:, :RANK]
    noe = noe_ref[0][:, :RANK]

    s_n = _normalize(se)
    o_n = _normalize(oe)
    ns_n = _normalize(nse)
    no_n = _normalize(noe)

    def expand(x, pat_ref):
        return lax.dot_general(x.astype(jnp.bfloat16), pat_ref[...],
                               (((1,), (0,)), ((), ())),
                               preferred_element_type=jnp.float32)

    s_rep = expand(s_n, pexp_ref)
    o_rep = expand(o_n, qexp_ref)
    ns_rep = expand(ns_n, pexp_ref)
    no_rep = expand(no_n, qexp_ref)

    pos_ref[0] = jnp.sum(g * s_rep * o_rep, axis=1, keepdims=True)
    neg_ref[0] = jnp.sum(g * ns_rep * no_rep, axis=1, keepdims=True)

    acc_ref[0] += jnp.sum(se * se)
    acc_ref[1] += jnp.sum(oe * oe)
    acc_ref[2] += jnp.sum(nse * nse)
    acc_ref[3] += jnp.sum(noe * noe)
    acc_ref[4] += jnp.sum(g * g)

    @pl.when(i == nt - 1)
    def _finalize():
        b_total = nt * TILE
        ent_scale = 1.0 / (b_total * RANK)
        rel_scale = 1.0 / (b_total * RANK * RANK)
        rel_term = acc_ref[4] * rel_scale
        pregul_ref[...] = jnp.full(pregul_ref.shape, (
            acc_ref[0] * ent_scale + acc_ref[1] * ent_scale + rel_term) / 3.0,
            jnp.float32)
        nregul_ref[...] = jnp.full(nregul_ref.shape, (
            acc_ref[2] * ent_scale + acc_ref[3] * ent_scale + rel_term) / 3.0,
            jnp.float32)


def kernel(sub, obj, n_sub, n_obj, rel, ent_embedding, rel_embedding):
    b = sub.shape[0]
    nt = b // TILE
    total = 4 * b

    idx_all = jnp.concatenate([sub, obj, n_sub, n_obj]).astype(jnp.int32)
    idx3 = idx_all.reshape(_NW, total // (_NW * _CH), _CH)
    table_pad = jnp.pad(ent_embedding, ((0, 0), (0, _PADW - RANK)))
    gathered = _make_sc_gather(total)(table_pad, idx3)
    g4 = gathered.reshape(4, b, _PADW)

    rhi = jnp.pad(
        rel_embedding.reshape(-1, RANK * RANK).astype(jnp.bfloat16),
        ((0, KPAD - rel_embedding.shape[0]), (0, 0)))
    rel2 = rel.astype(jnp.int32).reshape(b, 1)

    lane = jnp.arange(RANK * RANK, dtype=jnp.int32).reshape(1, -1)
    col = jnp.arange(RANK, dtype=jnp.int32).reshape(-1, 1)
    pexp = (lane // RANK == col).astype(jnp.bfloat16)
    qexp = (lane % RANK == col).astype(jnp.bfloat16)

    ent_spec = lambda s: pl.BlockSpec((1, TILE, _PADW), lambda i: (s, i, 0))
    pos3, neg3, pregul, nregul = pl.pallas_call(
        _tc_body,
        grid=(nt,),
        in_specs=[
            pl.BlockSpec((TILE, 1), lambda i: (i, 0)),
            ent_spec(0), ent_spec(1), ent_spec(2), ent_spec(3),
            pl.BlockSpec((KPAD, RANK * RANK), lambda i: (0, 0)),
            pl.BlockSpec((RANK, RANK * RANK), lambda i: (0, 0)),
            pl.BlockSpec((RANK, RANK * RANK), lambda i: (0, 0)),
        ],
        out_specs=[
            pl.BlockSpec((1, TILE, 1), lambda i: (i, 0, 0)),
            pl.BlockSpec((1, TILE, 1), lambda i: (i, 0, 0)),
            pl.BlockSpec((1, 128), lambda i: (0, 0)),
            pl.BlockSpec((1, 128), lambda i: (0, 0)),
        ],
        out_shape=[
            jax.ShapeDtypeStruct((nt, TILE, 1), jnp.float32),
            jax.ShapeDtypeStruct((nt, TILE, 1), jnp.float32),
            jax.ShapeDtypeStruct((1, 128), jnp.float32),
            jax.ShapeDtypeStruct((1, 128), jnp.float32),
        ],
        scratch_shapes=[pltpu.SMEM((8,), jnp.float32)],
        compiler_params=pltpu.CompilerParams(
            dimension_semantics=("arbitrary",)),
    )(rel2, g4, g4, g4, g4, rhi, pexp, qexp)

    return (pos3.reshape(b), neg3.reshape(b),
            pregul[0, 0].reshape(()), nregul[0, 0].reshape(()))

# --- scband reference (transcript-rebuilt; emitter-appended) ---
"""Pipeline reference for scband-rescal-26104811225739 (READ-ONLY COPY).

The authoritative reference and input builder live on the scoring server;
editing this copy changes nothing except your own understanding.
"""

import jax, jax.numpy as jnp
import numpy as np

ENT_NUM = 1000000
REL_NUM = 1000
RANK = 64
B = 16384


def _xavier_uniform(key, shape, fan_in, fan_out):
    a = float(np.sqrt(6.0 / (fan_in + fan_out)))
    return jax.random.uniform(key, shape, minval=-a, maxval=a, dtype=jnp.float32)


def setup_inputs(seed: int = 0) -> dict:
    key = jax.random.key(seed)
    ks = jax.random.split(key, 7)
    sub = jax.random.randint(ks[0], (B,), 0, ENT_NUM, dtype=jnp.int64) if jax.config.jax_enable_x64 else jax.random.randint(ks[0], (B,), 0, ENT_NUM).astype(jnp.int32)
    obj = jax.random.randint(ks[1], (B,), 0, ENT_NUM).astype(sub.dtype)
    n_sub = jax.random.randint(ks[2], (B,), 0, ENT_NUM).astype(sub.dtype)
    n_obj = jax.random.randint(ks[3], (B,), 0, ENT_NUM).astype(sub.dtype)
    rel = jax.random.randint(ks[4], (B,), 0, REL_NUM).astype(sub.dtype)
    # nn.init.xavier_uniform_ on (ENT_NUM, RANK): fan_in=RANK, fan_out=ENT_NUM
    ent_embedding = _xavier_uniform(ks[5], (ENT_NUM, RANK), RANK, ENT_NUM)
    # on (REL_NUM, RANK, RANK): torch fan_in = RANK*RANK, fan_out = REL_NUM*RANK
    rel_embedding = _xavier_uniform(ks[6], (REL_NUM, RANK, RANK), RANK * RANK, REL_NUM * RANK)
    return {
        "sub": sub, "obj": obj, "n_sub": n_sub, "n_obj": n_obj, "rel": rel,
        "ent_embedding": ent_embedding, "rel_embedding": rel_embedding,
    }


def reference(sub, obj, n_sub, n_obj, rel, ent_embedding, rel_embedding):
    def _l2_normalize(x):
        norm = jnp.linalg.norm(x, ord=2, axis=1, keepdims=True)
        return x / jnp.maximum(norm, 1e-12)

    def scoring_function(s, o, r):
        sub_emb = _l2_normalize(jnp.take(ent_embedding, s, axis=0))
        obj_emb = _l2_normalize(jnp.take(ent_embedding, o, axis=0))
        rel_emb = jnp.take(rel_embedding, r, axis=0)
        # sub_emb.unsqueeze(1) @ rel_emb -> squeeze(1)
        sub_rel = jnp.einsum('bi,bij->bj', sub_emb, rel_emb)
        score = sub_rel * obj_emb
        return jnp.sum(score, axis=1)

    def regularization(s, o, r):
        h = jnp.take(ent_embedding, s, axis=0)
        t = jnp.take(ent_embedding, o, axis=0)
        rm = jnp.take(rel_embedding, r, axis=0)
        return (jnp.mean(h ** 2) + jnp.mean(t ** 2) + jnp.mean(rm ** 2)) / 3.0

    pos = scoring_function(sub, obj, rel)
    neg = scoring_function(n_sub, n_obj, rel)
    pos_regul = regularization(sub, obj, rel)
    neg_regul = regularization(n_sub, n_obj, rel)
    return (pos, neg, pos_regul, neg_regul)

if __name__ == "__main__":
    import jax
    _d = setup_inputs()
    print(jax.jit(kernel)(*tuple(_d.values())))

</pallas_src>

<mosaic_0001>
#map = affine_map<(d0, d1) -> (0, 0)>
#map1 = affine_map<(d0, d1) -> (0, 0, 0)>
module attributes {stable_mosaic.version = 14 : i64} {
  func.func @gather(%arg0: i32, %arg1: i32, %arg2: memref<1000000x128xf32, #tpu.memory_space<hbm>>, %arg3: memref<32x16x128xi32, #tpu.memory_space<hbm>>, %arg4: memref<65536x128xf32, #tpu.memory_space<hbm>>, %arg5: memref<16x128xi32, #tpu.memory_space<vmem>>, %arg6: memref<128x128xf32, #tpu.memory_space<vmem>>, %arg7: memref<128x128xf32, #tpu.memory_space<vmem>>, %arg8: memref<!tpu.dma_semaphore, #tpu.memory_space<semaphore_mem>>, %arg9: memref<!tpu.dma_semaphore, #tpu.memory_space<semaphore_mem>>) attributes {dimension_semantics = [#tpu.dimension_semantics<core_parallel>, #tpu.dimension_semantics<subcore_parallel>], iteration_bounds = array<i64: 2, 16>, scalar_prefetch = 0 : i64, scratch_operands = 5 : i64, tpu.core_type = #tpu.core_type<sc_vector_subcore>, window_params = [{transform_indices = #map}, {transform_indices = #map1}, {transform_indices = #map}]} {
    %mul3A = arith.constant 2 : i32
    %mul3A_0 = arith.muli %arg1, %mul3A : i32
    %add3A = arith.addi %mul3A_0, %arg0 : i32
    %mul3A_1 = arith.constant 2048 : i32
    %mul3A_2 = arith.muli %add3A, %mul3A_1 : i32
    "tpu.region"() ({
      %run_scoped3A = tpu.sem_alloc : memref<!tpu.dma_semaphore, #tpu.memory_space<semaphore_mem>>
      %dma_start3A_257 = arith.constant 0 : i32
      %dma_start3A_258 = arith.constant 0 : i32
      %dma_start3A_259 = tpu.memref_slice %arg3[%add3A, %dma_start3A_257, %dma_start3A_258] : memref<32x16x128xi32, #tpu.memory_space<hbm>> -> memref<1x16x128xi32, #tpu.memory_space<hbm>>
      %dma_start3A_260 = tpu.memref_squeeze %dma_start3A_259 : memref<1x16x128xi32, #tpu.memory_space<hbm>> -> memref<16x128xi32, #tpu.memory_space<hbm>>
      %dma_start3A_261 = arith.constant 0 : i32
      %dma_start3A_262 = arith.constant 0 : i32
      %dma_start3A_263 = tpu.memref_slice %arg3[%add3A, %dma_start3A_261, %dma_start3A_262] : memref<32x16x128xi32, #tpu.memory_space<hbm>> -> memref<1x16x128xi32, #tpu.memory_space<hbm>>
      %dma_start3A_264 = tpu.memref_squeeze %dma_start3A_263 : memref<1x16x128xi32, #tpu.memory_space<hbm>> -> memref<16x128xi32, #tpu.memory_space<hbm>>
      tpu.enqueue_dma source(%dma_start3A_264 : memref<16x128xi32, #tpu.memory_space<hbm>>) target(%arg5 : memref<16x128xi32, #tpu.memory_space<vmem>>) target_semaphore(%run_scoped3A : memref<!tpu.dma_semaphore, #tpu.memory_space<semaphore_mem>>)
      %dma_wait3A_265 = arith.constant 0 : i32
      %dma_wait3A_266 = arith.constant 0 : i32
      %dma_wait3A_267 = tpu.memref_slice %arg3[%add3A, %dma_wait3A_265, %dma_wait3A_266] : memref<32x16x128xi32, #tpu.memory_space<hbm>> -> memref<1x16x128xi32, #tpu.memory_space<hbm>>
      %dma_wait3A_268 = tpu.memref_squeeze %dma_wait3A_267 : memref<1x16x128xi32, #tpu.memory_space<hbm>> -> memref<16x128xi32, #tpu.memory_space<hbm>>
      %dma_wait3A_269 = arith.constant 0 : i32
      %dma_wait3A_270 = arith.constant 0 : i32
      %dma_wait3A_271 = tpu.memref_slice %arg3[%add3A, %dma_wait3A_269, %dma_wait3A_270] : memref<32x16x128xi32, #tpu.memory_space<hbm>> -> memref<1x16x128xi32, #tpu.memory_space<hbm>>
      %dma_wait3A_272 = tpu.memref_squeeze %dma_wait3A_271 : memref<1x16x128xi32, #tpu.memory_space<hbm>> -> memref<16x128xi32, #tpu.memory_space<hbm>>
      tpu.wait_dma2 semaphore(%run_scoped3A : memref<!tpu.dma_semaphore, #tpu.memory_space<semaphore_mem>>) src(%dma_wait3A_272 : memref<16x128xi32, #tpu.memory_space<hbm>>) dst(%arg5 : memref<16x128xi32, #tpu.memory_space<vmem>>)
      tpu.yield
    }) : () -> ()
    %dma_start3A = arith.constant 0 : i32
    %dma_start3A_3 = arith.constant 0 : i32
    %dma_start3A_4 = tpu.memref_slice %arg5[%dma_start3A, %dma_start3A_3] : memref<16x128xi32, #tpu.memory_space<vmem>> -> memref<1x128xi32, #tpu.memory_space<vmem>>
    %dma_start3A_5 = tpu.memref_squeeze %dma_start3A_4 : memref<1x128xi32, #tpu.memory_space<vmem>> -> memref<128xi32, #tpu.memory_space<vmem>>
    %dma_start3A_6 = arith.constant 0 : i32
    %dma_start3A_7 = arith.constant 0 : i32
    %dma_start3A_8 = tpu.memref_slice %arg2[%dma_start3A_6, %dma_start3A_7] : memref<1000000x128xf32, #tpu.memory_space<hbm>> -> memref<1000000x128xf32, #tpu.memory_space<hbm>>
    tpu.enqueue_indirect_dma source(%dma_start3A_8 : memref<1000000x128xf32, #tpu.memory_space<hbm>>) target(%arg6 : memref<128x128xf32, #tpu.memory_space<vmem>>) offsets(%dma_start3A_5 : memref<128xi32, #tpu.memory_space<vmem>>) semaphore(%arg8 : memref<!tpu.dma_semaphore, #tpu.memory_space<semaphore_mem>>)
    %dma_start3A_9 = arith.constant 1 : i32
    %dma_start3A_10 = arith.constant 0 : i32
    %dma_start3A_11 = tpu.memref_slice %arg5[%dma_start3A_9, %dma_start3A_10] : memref<16x128xi32, #tpu.memory_space<vmem>> -> memref<1x128xi32, #tpu.memory_space<vmem>>
    %dma_start3A_12 = tpu.memref_squeeze %dma_start3A_11 : memref<1x128xi32, #tpu.memory_space<vmem>> -> memref<128xi32, #tpu.memory_space<vmem>>
    %dma_start3A_13 = arith.constant 0 : i32
    %dma_start3A_14 = arith.constant 0 : i32
    %dma_start3A_15 = tpu.memref_slice %arg2[%dma_start3A_13, %dma_start3A_14] : memref<1000000x128xf32, #tpu.memory_space<hbm>> -> memref<1000000x128xf32, #tpu.memory_space<hbm>>
    tpu.enqueue_indirect_dma source(%dma_start3A_15 : memref<1000000x128xf32, #tpu.memory_space<hbm>>) target(%arg7 : memref<128x128xf32, #tpu.memory_space<vmem>>) offsets(%dma_start3A_12 : memref<128xi32, #tpu.memory_space<vmem>>) semaphore(%arg9 : memref<!tpu.dma_semaphore, #tpu.memory_space<semaphore_mem>>)
    %dma_wait3A = arith.constant 0 : i32
    %dma_wait3A_16 = arith.constant 0 : i32
    %dma_wait3A_17 = tpu.memref_slice %arg5[%dma_wait3A, %dma_wait3A_16] : memref<16x128xi32, #tpu.memory_space<vmem>> -> memref<1x128xi32, #tpu.memory_space<vmem>>
    %dma_wait3A_18 = tpu.memref_squeeze %dma_wait3A_17 : memref<1x128xi32, #tpu.memory_space<vmem>> -> memref<128xi32, #tpu.memory_space<vmem>>
    %dma_wait3A_19 = arith.constant 0 : i32
    %dma_wait3A_20 = arith.constant 0 : i32
    %dma_wait3A_21 = tpu.memref_slice %arg2[%dma_wait3A_19, %dma_wait3A_20] : memref<1000000x128xf32, #tpu.memory_space<hbm>> -> memref<1000000x128xf32, #tpu.memory_space<hbm>>
    tpu.wait_indirect_dma semaphore(%arg8 : memref<!tpu.dma_semaphore, #tpu.memory_space<semaphore_mem>>) src(%dma_wait3A_21 : memref<1000000x128xf32, #tpu.memory_space<hbm>>) dst(%arg6 : memref<128x128xf32, #tpu.memory_space<vmem>>)
    %add3A_22 = arith.constant 0 : i32
    %add3A_23 = arith.addi %mul3A_2, %add3A_22 : i32
    "tpu.region"() ({
      %run_scoped3A = tpu.sem_alloc : memref<!tpu.dma_semaphore, #tpu.memory_space<semaphore_mem>>
      %dma_start3A_257 = arith.constant 0 : i32
      %dma_start3A_258 = tpu.memref_slice %arg4[%add3A_23, %dma_start3A_257] : memref<65536x128xf32, #tpu.memory_space<hbm>> -> memref<128x128xf32, #tpu.memory_space<hbm>>
      %dma_start3A_259 = arith.constant 0 : i32
      %dma_start3A_260 = tpu.memref_slice %arg4[%add3A_23, %dma_start3A_259] : memref<65536x128xf32, #tpu.memory_space<hbm>> -> memref<128x128xf32, #tpu.memory_space<hbm>>
      tpu.enqueue_dma source(%arg6 : memref<128x128xf32, #tpu.memory_space<vmem>>) target(%dma_start3A_260 : memref<128x128xf32, #tpu.memory_space<hbm>>) target_semaphore(%run_scoped3A : memref<!tpu.dma_semaphore, #tpu.memory_space<semaphore_mem>>)
      %dma_wait3A_261 = arith.constant 0 : i32
      %dma_wait3A_262 = tpu.memref_slice %arg4[%add3A_23, %dma_wait3A_261] : memref<65536x128xf32, #tpu.memory_space<hbm>> -> memref<128x128xf32, #tpu.memory_space<hbm>>
      %dma_wait3A_263 = arith.constant 0 : i32
      %dma_wait3A_264 = tpu.memref_slice %arg4[%add3A_23, %dma_wait3A_263] : memref<65536x128xf32, #tpu.memory_space<hbm>> -> memref<128x128xf32, #tpu.memory_space<hbm>>
      tpu.wait_dma2 semaphore(%run_scoped3A : memref<!tpu.dma_semaphore, #tpu.memory_space<semaphore_mem>>) src(%arg6 : memref<128x128xf32, #tpu.memory_space<vmem>>) dst(%dma_wait3A_264 : memref<128x128xf32, #tpu.memory_space<hbm>>)
      tpu.yield
    }) : () -> ()
    %dma_start3A_24 = arith.constant 2 : i32
    %dma_start3A_25 = arith.constant 0 : i32
    %dma_start3A_26 = tpu.memref_slice %arg5[%dma_start3A_24, %dma_start3A_25] : memref<16x128xi32, #tpu.memory_space<vmem>> -> memref<1x128xi32, #tpu.memory_space<vmem>>
    %dma_start3A_27 = tpu.memref_squeeze %dma_start3A_26 : memref<1x128xi32, #tpu.memory_space<vmem>> -> memref<128xi32, #tpu.memory_space<vmem>>
    %dma_start3A_28 = arith.constant 0 : i32
    %dma_start3A_29 = arith.constant 0 : i32
    %dma_start3A_30 = tpu.memref_slice %arg2[%dma_start3A_28, %dma_start3A_29] : memref<1000000x128xf32, #tpu.memory_space<hbm>> -> memref<1000000x128xf32, #tpu.memory_space<hbm>>
    tpu.enqueue_indirect_dma source(%dma_start3A_30 : memref<1000000x128xf32, #tpu.memory_space<hbm>>) target(%arg6 : memref<128x128xf32, #tpu.memory_space<vmem>>) offsets(%dma_start3A_27 : memref<128xi32, #tpu.memory_space<vmem>>) semaphore(%arg8 : memref<!tpu.dma_semaphore, #tpu.memory_space<semaphore_mem>>)
    %dma_wait3A_31 = arith.constant 1 : i32
    %dma_wait3A_32 = arith.constant 0 : i32
    %dma_wait3A_33 = tpu.memref_slice %arg5[%dma_wait3A_31, %dma_wait3A_32] : memref<16x128xi32, #tpu.memory_space<vmem>> -> memref<1x128xi32, #tpu.memory_space<vmem>>
    %dma_wait3A_34 = tpu.memref_squeeze %dma_wait3A_33 : memref<1x128xi32, #tpu.memory_space<vmem>> -> memref<128xi32, #tpu.memory_space<vmem>>
    %dma_wait3A_35 = arith.constant 0 : i32
    %dma_wait3A_36 = arith.constant 0 : i32
    %dma_wait3A_37 = tpu.memref_slice %arg2[%dma_wait3A_35, %dma_wait3A_36] : memref<1000000x128xf32, #tpu.memory_space<hbm>> -> memref<1000000x128xf32, #tpu.memory_space<hbm>>
    tpu.wait_indirect_dma semaphore(%arg9 : memref<!tpu.dma_semaphore, #tpu.memory_space<semaphore_mem>>) src(%dma_wait3A_37 : memref<1000000x128xf32, #tpu.memory_space<hbm>>) dst(%arg7 : memref<128x128xf32, #tpu.memory_space<vmem>>)
    %add3A_38 = arith.constant 128 : i32
    %add3A_39 = arith.addi %mul3A_2, %add3A_38 : i32
    "tpu.region"() ({
      %run_scoped3A = tpu.sem_alloc : memref<!tpu.dma_semaphore, #tpu.memory_space<semaphore_mem>>
      %dma_start3A_257 = arith.constant 0 : i32
      %dma_start3A_258 = tpu.memref_slice %arg4[%add3A_39, %dma_start3A_257] : memref<65536x128xf32, #tpu.memory_space<hbm>> -> memref<128x128xf32, #tpu.memory_space<hbm>>
      %dma_start3A_259 = arith.constant 0 : i32
      %dma_start3A_260 = tpu.memref_slice %arg4[%add3A_39, %dma_start3A_259] : memref<65536x128xf32, #tpu.memory_space<hbm>> -> memref<128x128xf32, #tpu.memory_space<hbm>>
      tpu.enqueue_dma source(%arg7 : memref<128x128xf32, #tpu.memory_space<vmem>>) target(%dma_start3A_260 : memref<128x128xf32, #tpu.memory_space<hbm>>) target_semaphore(%run_scoped3A : memref<!tpu.dma_semaphore, #tpu.memory_space<semaphore_mem>>)
      %dma_wait3A_261 = arith.constant 0 : i32
      %dma_wait3A_262 = tpu.memref_slice %arg4[%add3A_39, %dma_wait3A_261] : memref<65536x128xf32, #tpu.memory_space<hbm>> -> memref<128x128xf32, #tpu.memory_space<hbm>>
      %dma_wait3A_263 = arith.constant 0 : i32
      %dma_wait3A_264 = tpu.memref_slice %arg4[%add3A_39, %dma_wait3A_263] : memref<65536x128xf32, #tpu.memory_space<hbm>> -> memref<128x128xf32, #tpu.memory_space<hbm>>
      tpu.wait_dma2 semaphore(%run_scoped3A : memref<!tpu.dma_semaphore, #tpu.memory_space<semaphore_mem>>) src(%arg7 : memref<128x128xf32, #tpu.memory_space<vmem>>) dst(%dma_wait3A_264 : memref<128x128xf32, #tpu.memory_space<hbm>>)
      tpu.yield
    }) : () -> ()
    %dma_start3A_40 = arith.constant 3 : i32
    %dma_start3A_41 = arith.constant 0 : i32
    %dma_start3A_42 = tpu.memref_slice %arg5[%dma_start3A_40, %dma_start3A_41] : memref<16x128xi32, #tpu.memory_space<vmem>> -> memref<1x128xi32, #tpu.memory_space<vmem>>
    %dma_start3A_43 = tpu.memref_squeeze %dma_start3A_42 : memref<1x128xi32, #tpu.memory_space<vmem>> -> memref<128xi32, #tpu.memory_space<vmem>>
    %dma_start3A_44 = arith.constant 0 : i32
    %dma_start3A_45 = arith.constant 0 : i32
    %dma_start3A_46 = tpu.memref_slice %arg2[%dma_start3A_44, %dma_start3A_45] : memref<1000000x128xf32, #tpu.memory_space<hbm>> -> memref<1000000x128xf32, #tpu.memory_space<hbm>>
    tpu.enqueue_indirect_dma source(%dma_start3A_46 : memref<1000000x128xf32, #tpu.memory_space<hbm>>) target(%arg7 : memref<128x128xf32, #tpu.memory_space<vmem>>) offsets(%dma_start3A_43 : memref<128xi32, #tpu.memory_space<vmem>>) semaphore(%arg9 : memref<!tpu.dma_semaphore, #tpu.memory_space<semaphore_mem>>)
    %dma_wait3A_47 = arith.constant 2 : i32
    %dma_wait3A_48 = arith.constant 0 : i32
    %dma_wait3A_49 = tpu.memref_slice %arg5[%dma_wait3A_47, %dma_wait3A_48] : memref<16x128xi32, #tpu.memory_space<vmem>> -> memref<1x128xi32, #tpu.memory_space<vmem>>
    %dma_wait3A_50 = tpu.memref_squeeze %dma_wait3A_49 : memref<1x128xi32, #tpu.memory_space<vmem>> -> memref<128xi32, #tpu.memory_space<vmem>>
    %dma_wait3A_51 = arith.constant 0 : i32
    %dma_wait3A_52 = arith.constant 0 : i32
    %dma_wait3A_53 = tpu.memref_slice %arg2[%dma_wait3A_51, %dma_wait3A_52] : memref<1000000x128xf32, #tpu.memory_space<hbm>> -> memref<1000000x128xf32, #tpu.memory_space<hbm>>
    tpu.wait_indirect_dma semaphore(%arg8 : memref<!tpu.dma_semaphore, #tpu.memory_space<semaphore_mem>>) src(%dma_wait3A_53 : memref<1000000x128xf32, #tpu.memory_space<hbm>>) dst(%arg6 : memref<128x128xf32, #tpu.memory_space<vmem>>)
    %add3A_54 = arith.constant 256 : i32
    %add3A_55 = arith.addi %mul3A_2, %add3A_54 : i32
    "tpu.region"() ({
      %run_scoped3A = tpu.sem_alloc : memref<!tpu.dma_semaphore, #tpu.memory_space<semaphore_mem>>
      %dma_start3A_257 = arith.constant 0 : i32
      %dma_start3A_258 = tpu.memref_slice %arg4[%add3A_55, %dma_start3A_257] : memref<65536x128xf32, #tpu.memory_space<hbm>> -> memref<128x128xf32, #tpu.memory_space<hbm>>
      %dma_start3A_259 = arith.constant 0 : i32
      %dma_start3A_260 = tpu.memref_slice %arg4[%add3A_55, %dma_start3A_259] : memref<65536x128xf32, #tpu.memory_space<hbm>> -> memref<128x128xf32, #tpu.memory_space<hbm>>
      tpu.enqueue_dma source(%arg6 : memref<128x128xf32, #tpu.memory_space<vmem>>) target(%dma_start3A_260 : memref<128x128xf32, #tpu.memory_space<hbm>>) target_semaphore(%run_scoped3A : memref<!tpu.dma_semaphore, #tpu.memory_space<semaphore_mem>>)
      %dma_wait3A_261 = arith.constant 0 : i32
      %dma_wait3A_262 = tpu.memref_slice %arg4[%add3A_55, %dma_wait3A_261] : memref<65536x128xf32, #tpu.memory_space<hbm>> -> memref<128x128xf32, #tpu.memory_space<hbm>>
      %dma_wait3A_263 = arith.constant 0 : i32
      %dma_wait3A_264 = tpu.memref_slice %arg4[%add3A_55, %dma_wait3A_263] : memref<65536x128xf32, #tpu.memory_space<hbm>> -> memref<128x128xf32, #tpu.memory_space<hbm>>
      tpu.wait_dma2 semaphore(%run_scoped3A : memref<!tpu.dma_semaphore, #tpu.memory_space<semaphore_mem>>) src(%arg6 : memref<128x128xf32, #tpu.memory_space<vmem>>) dst(%dma_wait3A_264 : memref<128x128xf32, #tpu.memory_space<hbm>>)
      tpu.yield
    }) : () -> ()
    %dma_start3A_56 = arith.constant 4 : i32
    %dma_start3A_57 = arith.constant 0 : i32
    %dma_start3A_58 = tpu.memref_slice %arg5[%dma_start3A_56, %dma_start3A_57] : memref<16x128xi32, #tpu.memory_space<vmem>> -> memref<1x128xi32, #tpu.memory_space<vmem>>
    %dma_start3A_59 = tpu.memref_squeeze %dma_start3A_58 : memref<1x128xi32, #tpu.memory_space<vmem>> -> memref<128xi32, #tpu.memory_space<vmem>>
    %dma_start3A_60 = arith.constant 0 : i32
    %dma_start3A_61 = arith.constant 0 : i32
    %dma_start3A_62 = tpu.memref_slice %arg2[%dma_start3A_60, %dma_start3A_61] : memref<1000000x128xf32, #tpu.memory_space<hbm>> -> memref<1000000x128xf32, #tpu.memory_space<hbm>>
    tpu.enqueue_indirect_dma source(%dma_start3A_62 : memref<1000000x128xf32, #tpu.memory_space<hbm>>) target(%arg6 : memref<128x128xf32, #tpu.memory_space<vmem>>) offsets(%dma_start3A_59 : memref<128xi32, #tpu.memory_space<vmem>>) semaphore(%arg8 : memref<!tpu.dma_semaphore, #tpu.memory_space<semaphore_mem>>)
    %dma_wait3A_63 = arith.constant 3 : i32
    %dma_wait3A_64 = arith.constant 0 : i32
    %dma_wait3A_65 = tpu.memref_slice %arg5[%dma_wait3A_63, %dma_wait3A_64] : memref<16x128xi32, #tpu.memory_space<vmem>> -> memref<1x128xi32, #tpu.memory_space<vmem>>
    %dma_wait3A_66 = tpu.memref_squeeze %dma_wait3A_65 : memref<1x128xi32, #tpu.memory_space<vmem>> -> memref<128xi32, #tpu.memory_space<vmem>>
    %dma_wait3A_67 = arith.constant 0 : i32
    %dma_wait3A_68 = arith.constant 0 : i32
    %dma_wait3A_69 = tpu.memref_slice %arg2[%dma_wait3A_67, %dma_wait3A_68] : memref<1000000x128xf32, #tpu.memory_space<hbm>> -> memref<1000000x128xf32, #tpu.memory_space<hbm>>
    tpu.wait_indirect_dma semaphore(%arg9 : memref<!tpu.dma_semaphore, #tpu.memory_space<semaphore_mem>>) src(%dma_wait3A_69 : memref<1000000x128xf32, #tpu.memory_space<hbm>>) dst(%arg7 : memref<128x128xf32, #tpu.memory_space<vmem>>)
    %add3A_70 = arith.constant 384 : i32
    %add3A_71 = arith.addi %mul3A_2, %add3A_70 : i32
    "tpu.region"() ({
      %run_scoped3A = tpu.sem_alloc : memref<!tpu.dma_semaphore, #tpu.memory_space<semaphore_mem>>
      %dma_start3A_257 = arith.constant 0 : i32
      %dma_start3A_258 = tpu.memref_slice %arg4[%add3A_71, %dma_start3A_257] : memref<65536x128xf32, #tpu.memory_space<hbm>> -> memref<128x128xf32, #tpu.memory_space<hbm>>
      %dma_start3A_259 = arith.constant 0 : i32
      %dma_start3A_260 = tpu.memref_slice %arg4[%add3A_71, %dma_start3A_259] : memref<65536x128xf32, #tpu.memory_space<hbm>> -> memref<128x128xf32, #tpu.memory_space<hbm>>
      tpu.enqueue_dma source(%arg7 : memref<128x128xf32, #tpu.memory_space<vmem>>) target(%dma_start3A_260 : memref<128x128xf32, #tpu.memory_space<hbm>>) target_semaphore(%run_scoped3A : memref<!tpu.dma_semaphore, #tpu.memory_space<semaphore_mem>>)
      %dma_wait3A_261 = arith.constant 0 : i32
      %dma_wait3A_262 = tpu.memref_slice %arg4[%add3A_71, %dma_wait3A_261] : memref<65536x128xf32, #tpu.memory_space<hbm>> -> memref<128x128xf32, #tpu.memory_space<hbm>>
      %dma_wait3A_263 = arith.constant 0 : i32
      %dma_wait3A_264 = tpu.memref_slice %arg4[%add3A_71, %dma_wait3A_263] : memref<65536x128xf32, #tpu.memory_space<hbm>> -> memref<128x128xf32, #tpu.memory_space<hbm>>
      tpu.wait_dma2 semaphore(%run_scoped3A : memref<!tpu.dma_semaphore, #tpu.memory_space<semaphore_mem>>) src(%arg7 : memref<128x128xf32, #tpu.memory_space<vmem>>) dst(%dma_wait3A_264 : memref<128x128xf32, #tpu.memory_space<hbm>>)
      tpu.yield
    }) : () -> ()
    %dma_start3A_72 = arith.constant 5 : i32
    %dma_start3A_73 = arith.constant 0 : i32
    %dma_start3A_74 = tpu.memref_slice %arg5[%dma_start3A_72, %dma_start3A_73] : memref<16x128xi32, #tpu.memory_space<vmem>> -> memref<1x128xi32, #tpu.memory_space<vmem>>
    %dma_start3A_75 = tpu.memref_squeeze %dma_start3A_74 : memref<1x128xi32, #tpu.memory_space<vmem>> -> memref<128xi32, #tpu.memory_space<vmem>>
    %dma_start3A_76 = arith.constant 0 : i32
    %dma_start3A_77 = arith.constant 0 : i32
    %dma_start3A_78 = tpu.memref_slice %arg2[%dma_start3A_76, %dma_start3A_77] : memref<1000000x128xf32, #tpu.memory_space<hbm>> -> memref<1000000x128xf32, #tpu.memory_space<hbm>>
    tpu.enqueue_indirect_dma source(%dma_start3A_78 : memref<1000000x128xf32, #tpu.memory_space<hbm>>) target(%arg7 : memref<128x128xf32, #tpu.memory_space<vmem>>) offsets(%dma_start3A_75 : memref<128xi32, #tpu.memory_space<vmem>>) semaphore(%arg9 : memref<!tpu.dma_semaphore, #tpu.memory_space<semaphore_mem>>)
    %dma_wait3A_79 = arith.constant 4 : i32
    %dma_wait3A_80 = arith.constant 0 : i32
    %dma_wait3A_81 = tpu.memref_slice %arg5[%dma_wait3A_79, %dma_wait3A_80] : memref<16x128xi32, #tpu.memory_space<vmem>> -> memref<1x128xi32, #tpu.memory_space<vmem>>
    %dma_wait3A_82 = tpu.memref_squeeze %dma_wait3A_81 : memref<1x128xi32, #tpu.memory_space<vmem>> -> memref<128xi32, #tpu.memory_space<vmem>>
    %dma_wait3A_83 = arith.constant 0 : i32
    %dma_wait3A_84 = arith.constant 0 : i32
    %dma_wait3A_85 = tpu.memref_slice %arg2[%dma_wait3A_83, %dma_wait3A_84] : memref<1000000x128xf32, #tpu.memory_space<hbm>> -> memref<1000000x128xf32, #tpu.memory_space<hbm>>
    tpu.wait_indirect_dma semaphore(%arg8 : memref<!tpu.dma_semaphore, #tpu.memory_space<semaphore_mem>>) src(%dma_wait3A_85 : memref<1000000x128xf32, #tpu.memory_space<hbm>>) dst(%arg6 : memref<128x128xf32, #tpu.memory_space<vmem>>)
    %add3A_86 = arith.constant 512 : i32
    %add3A_87 = arith.addi %mul3A_2, %add3A_86 : i32
    "tpu.region"() ({
      %run_scoped3A = tpu.sem_alloc : memref<!tpu.dma_semaphore, #tpu.memory_space<semaphore_mem>>
      %dma_start3A_257 = arith.constant 0 : i32
      %dma_start3A_258 = tpu.memref_slice %arg4[%add3A_87, %dma_start3A_257] : memref<65536x128xf32, #tpu.memory_space<hbm>> -> memref<128x128xf32, #tpu.memory_space<hbm>>
      %dma_start3A_259 = arith.constant 0 : i32
      %dma_start3A_260 = tpu.memref_slice %arg4[%add3A_87, %dma_start3A_259] : memref<65536x128xf32, #tpu.memory_space<hbm>> -> memref<128x128xf32, #tpu.memory_space<hbm>>
      tpu.enqueue_dma source(%arg6 : memref<128x128xf32, #tpu.memory_space<vmem>>) target(%dma_start3A_260 : memref<128x128xf32, #tpu.memory_space<hbm>>) target_semaphore(%run_scoped3A : memref<!tpu.dma_semaphore, #tpu.memory_space<semaphore_mem>>)
      %dma_wait3A_261 = arith.constant 0 : i32
      %dma_wait3A_262 = tpu.memref_slice %arg4[%add3A_87, %dma_wait3A_261] : memref<65536x128xf32, #tpu.memory_space<hbm>> -> memref<128x128xf32, #tpu.memory_space<hbm>>
      %dma_wait3A_263 = arith.constant 0 : i32
      %dma_wait3A_264 = tpu.memref_slice %arg4[%add3A_87, %dma_wait3A_263] : memref<65536x128xf32, #tpu.memory_space<hbm>> -> memref<128x128xf32, #tpu.memory_space<hbm>>
      tpu.wait_dma2 semaphore(%run_scoped3A : memref<!tpu.dma_semaphore, #tpu.memory_space<semaphore_mem>>) src(%arg6 : memref<128x128xf32, #tpu.memory_space<vmem>>) dst(%dma_wait3A_264 : memref<128x128xf32, #tpu.memory_space<hbm>>)
      tpu.yield
    }) : () -> ()
    %dma_start3A_88 = arith.constant 6 : i32
    %dma_start3A_89 = arith.constant 0 : i32
    %dma_start3A_90 = tpu.memref_slice %arg5[%dma_start3A_88, %dma_start3A_89] : memref<16x128xi32, #tpu.memory_space<vmem>> -> memref<1x128xi32, #tpu.memory_space<vmem>>
    %dma_start3A_91 = tpu.memref_squeeze %dma_start3A_90 : memref<1x128xi32, #tpu.memory_space<vmem>> -> memref<128xi32, #tpu.memory_space<vmem>>
    %dma_start3A_92 = arith.constant 0 : i32
    %dma_start3A_93 = arith.constant 0 : i32
    %dma_start3A_94 = tpu.memref_slice %arg2[%dma_start3A_92, %dma_start3A_93] : memref<1000000x128xf32, #tpu.memory_space<hbm>> -> memref<1000000x128xf32, #tpu.memory_space<hbm>>
    tpu.enqueue_indirect_dma source(%dma_start3A_94 : memref<1000000x128xf32, #tpu.memory_space<hbm>>) target(%arg6 : memref<128x128xf32, #tpu.memory_space<vmem>>) offsets(%dma_start3A_91 : memref<128xi32, #tpu.memory_space<vmem>>) semaphore(%arg8 : memref<!tpu.dma_semaphore, #tpu.memory_space<semaphore_mem>>)
    %dma_wait3A_95 = arith.constant 5 : i32
    %dma_wait3A_96 = arith.constant 0 : i32
    %dma_wait3A_97 = tpu.memref_slice %arg5[%dma_wait3A_95, %dma_wait3A_96] : memref<16x128xi32, #tpu.memory_space<vmem>> -> memref<1x128xi32, #tpu.memory_space<vmem>>
    %dma_wait3A_98 = tpu.memref_squeeze %dma_wait3A_97 : memref<1x128xi32, #tpu.memory_space<vmem>> -> memref<128xi32, #tpu.memory_space<vmem>>
    %dma_wait3A_99 = arith.constant 0 : i32
    %dma_wait3A_100 = arith.constant 0 : i32
    %dma_wait3A_101 = tpu.memref_slice %arg2[%dma_wait3A_99, %dma_wait3A_100] : memref<1000000x128xf32, #tpu.memory_space<hbm>> -> memref<1000000x128xf32, #tpu.memory_space<hbm>>
    tpu.wait_indirect_dma semaphore(%arg9 : memref<!tpu.dma_semaphore, #tpu.memory_space<semaphore_mem>>) src(%dma_wait3A_101 : memref<1000000x128xf32, #tpu.memory_space<hbm>>) dst(%arg7 : memref<128x128xf32, #tpu.memory_space<vmem>>)
    %add3A_102 = arith.constant 640 : i32
    %add3A_103 = arith.addi %mul3A_2, %add3A_102 : i32
    "tpu.region"() ({
      %run_scoped3A = tpu.sem_alloc : memref<!tpu.dma_semaphore, #tpu.memory_space<semaphore_mem>>
      %dma_start3A_257 = arith.constant 0 : i32
      %dma_start3A_258 = tpu.memref_slice %arg4[%add3A_103, %dma_start3A_257] : memref<65536x128xf32, #tpu.memory_space<hbm>> -> memref<128x128xf32, #tpu.memory_space<hbm>>
      %dma_start3A_259 = arith.constant 0 : i32
      %dma_start3A_260 = tpu.memref_slice %arg4[%add3A_103, %dma_start3A_259] : memref<65536x128xf32, #tpu.memory_space<hbm>> -> memref<128x128xf32, #tpu.memory_space<hbm>>
      tpu.enqueue_dma source(%arg7 : memref<128x128xf32, #tpu.memory_space<vmem>>) target(%dma_start3A_260 : memref<128x128xf32, #tpu.memory_space<hbm>>) target_semaphore(%run_scoped3A : memref<!tpu.dma_semaphore, #tpu.memory_space<semaphore_mem>>)
      %dma_wait3A_261 = arith.constant 0 : i32
      %dma_wait3A_262 = tpu.memref_slice %arg4[%add3A_103, %dma_wait3A_261] : memref<65536x128xf32, #tpu.memory_space<hbm>> -> memref<128x128xf32, #tpu.memory_space<hbm>>
      %dma_wait3A_263 = arith.constant 0 : i32
      %dma_wait3A_264 = tpu.memref_slice %arg4[%add3A_103, %dma_wait3A_263] : memref<65536x128xf32, #tpu.memory_space<hbm>> -> memref<128x128xf32, #tpu.memory_space<hbm>>
      tpu.wait_dma2 semaphore(%run_scoped3A : memref<!tpu.dma_semaphore, #tpu.memory_space<semaphore_mem>>) src(%arg7 : memref<128x128xf32, #tpu.memory_space<vmem>>) dst(%dma_wait3A_264 : memref<128x128xf32, #tpu.memory_space<hbm>>)
      tpu.yield
    }) : () -> ()
    %dma_start3A_104 = arith.constant 7 : i32
    %dma_start3A_105 = arith.constant 0 : i32
    %dma_start3A_106 = tpu.memref_slice %arg5[%dma_start3A_104, %dma_start3A_105] : memref<16x128xi32, #tpu.memory_space<vmem>> -> memref<1x128xi32, #tpu.memory_space<vmem>>
    %dma_start3A_107 = tpu.memref_squeeze %dma_start3A_106 : memref<1x128xi32, #tpu.memory_space<vmem>> -> memref<128xi32, #tpu.memory_space<vmem>>
    %dma_start3A_108 = arith.constant 0 : i32
    %dma_start3A_109 = arith.constant 0 : i32
    %dma_start3A_110 = tpu.memref_slice %arg2[%dma_start3A_108, %dma_start3A_109] : memref<1000000x128xf32, #tpu.memory_space<hbm>> -> memref<1000000x128xf32, #tpu.memory_space<hbm>>
    tpu.enqueue_indirect_dma source(%dma_start3A_110 : memref<1000000x128xf32, #tpu.memory_space<hbm>>) target(%arg7 : memref<128x128xf32, #tpu.memory_space<vmem>>) offsets(%dma_start3A_107 : memref<128xi32, #tpu.memory_space<vmem>>) semaphore(%arg9 : memref<!tpu.dma_semaphore, #tpu.memory_space<semaphore_mem>>)
    %dma_wait3A_111 = arith.constant 6 : i32
    %dma_wait3A_112 = arith.constant 0 : i32
    %dma_wait3A_113 = tpu.memref_slice %arg5[%dma_wait3A_111, %dma_wait3A_112] : memref<16x128xi32, #tpu.memory_space<vmem>> -> memref<1x128xi32, #tpu.memory_space<vmem>>
    %dma_wait3A_114 = tpu.memref_squeeze %dma_wait3A_113 : memref<1x128xi32, #tpu.memory_space<vmem>> -> memref<128xi32, #tpu.memory_space<vmem>>
    %dma_wait3A_115 = arith.constant 0 : i32
    %dma_wait3A_116 = arith.constant 0 : i32
    %dma_wait3A_117 = tpu.memref_slice %arg2[%dma_wait3A_115, %dma_wait3A_116] : memref<1000000x128xf32, #tpu.memory_space<hbm>> -> memref<1000000x128xf32, #tpu.memory_space<hbm>>
    tpu.wait_indirect_dma semaphore(%arg8 : memref<!tpu.dma_semaphore, #tpu.memory_space<semaphore_mem>>) src(%dma_wait3A_117 : memref<1000000x128xf32, #tpu.memory_space<hbm>>) dst(%arg6 : memref<128x128xf32, #tpu.memory_space<vmem>>)
    %add3A_118 = arith.constant 768 : i32
    %add3A_119 = arith.addi %mul3A_2, %add3A_118 : i32
    "tpu.region"() ({
      %run_scoped3A = tpu.sem_alloc : memref<!tpu.dma_semaphore, #tpu.memory_space<semaphore_mem>>
      %dma_start3A_257 = arith.constant 0 : i32
      %dma_start3A_258 = tpu.memref_slice %arg4[%add3A_119, %dma_start3A_257] : memref<65536x128xf32, #tpu.memory_space<hbm>> -> memref<128x128xf32, #tpu.memory_space<hbm>>
      %dma_start3A_259 = arith.constant 0 : i32
      %dma_start3A_260 = tpu.memref_slice %arg4[%add3A_119, %dma_start3A_259] : memref<65536x128xf32, #tpu.memory_space<hbm>> -> memref<128x128xf32, #tpu.memory_space<hbm>>
      tpu.enqueue_dma source(%arg6 : memref<128x128xf32, #tpu.memory_space<vmem>>) target(%dma_start3A_260 : memref<128x128xf32, #tpu.memory_space<hbm>>) target_semaphore(%run_scoped3A : memref<!tpu.dma_semaphore, #tpu.memory_space<semaphore_mem>>)
      %dma_wait3A_261 = arith.constant 0 : i32
      %dma_wait3A_262 = tpu.memref_slice %arg4[%add3A_119, %dma_wait3A_261] : memref<65536x128xf32, #tpu.memory_space<hbm>> -> memref<128x128xf32, #tpu.memory_space<hbm>>
      %dma_wait3A_263 = arith.constant 0 : i32
      %dma_wait3A_264 = tpu.memref_slice %arg4[%add3A_119, %dma_wait3A_263] : memref<65536x128xf32, #tpu.memory_space<hbm>> -> memref<128x128xf32, #tpu.memory_space<hbm>>
      tpu.wait_dma2 semaphore(%run_scoped3A : memref<!tpu.dma_semaphore, #tpu.memory_space<semaphore_mem>>) src(%arg6 : memref<128x128xf32, #tpu.memory_space<vmem>>) dst(%dma_wait3A_264 : memref<128x128xf32, #tpu.memory_space<hbm>>)
      tpu.yield
    }) : () -> ()
    %dma_start3A_120 = arith.constant 8 : i32
    %dma_start3A_121 = arith.constant 0 : i32
    %dma_start3A_122 = tpu.memref_slice %arg5[%dma_start3A_120, %dma_start3A_121] : memref<16x128xi32, #tpu.memory_space<vmem>> -> memref<1x128xi32, #tpu.memory_space<vmem>>
    %dma_start3A_123 = tpu.memref_squeeze %dma_start3A_122 : memref<1x128xi32, #tpu.memory_space<vmem>> -> memref<128xi32, #tpu.memory_space<vmem>>
    %dma_start3A_124 = arith.constant 0 : i32
    %dma_start3A_125 = arith.constant 0 : i32
    %dma_start3A_126 = tpu.memref_slice %arg2[%dma_start3A_124, %dma_start3A_125] : memref<1000000x128xf32, #tpu.memory_space<hbm>> -> memref<1000000x128xf32, #tpu.memory_space<hbm>>
    tpu.enqueue_indirect_dma source(%dma_start3A_126 : memref<1000000x128xf32, #tpu.memory_space<hbm>>) target(%arg6 : memref<128x128xf32, #tpu.memory_space<vmem>>) offsets(%dma_start3A_123 : memref<128xi32, #tpu.memory_space<vmem>>) semaphore(%arg8 : memref<!tpu.dma_semaphore, #tpu.memory_space<semaphore_mem>>)
    %dma_wait3A_127 = arith.constant 7 : i32
    %dma_wait3A_128 = arith.constant 0 : i32
    %dma_wait3A_129 = tpu.memref_slice %arg5[%dma_wait3A_127, %dma_wait3A_128] : memref<16x128xi32, #tpu.memory_space<vmem>> -> memref<1x128xi32, #tpu.memory_space<vmem>>
    %dma_wait3A_130 = tpu.memref_squeeze %dma_wait3A_129 : memref<1x128xi32, #tpu.memory_space<vmem>> -> memref<128xi32, #tpu.memory_space<vmem>>
    %dma_wait3A_131 = arith.constant 0 : i32
    %dma_wait3A_132 = arith.constant 0 : i32
    %dma_wait3A_133 = tpu.memref_slice %arg2[%dma_wait3A_131, %dma_wait3A_132] : memref<1000000x128xf32, #tpu.memory_space<hbm>> -> memref<1000000x128xf32, #tpu.memory_space<hbm>>
    tpu.wait_indirect_dma semaphore(%arg9 : memref<!tpu.dma_semaphore, #tpu.memory_space<semaphore_mem>>) src(%dma_wait3A_133 : memref<1000000x128xf32, #tpu.memory_space<hbm>>) dst(%arg7 : memref<128x128xf32, #tpu.memory_space<vmem>>)
    %add3A_134 = arith.constant 896 : i32
    %add3A_135 = arith.addi %mul3A_2, %add3A_134 : i32
    "tpu.region"() ({
      %run_scoped3A = tpu.sem_alloc : memref<!tpu.dma_semaphore, #tpu.memory_space<semaphore_mem>>
      %dma_start3A_257 = arith.constant 0 : i32
      %dma_start3A_258 = tpu.memref_slice %arg4[%add3A_135, %dma_start3A_257] : memref<65536x128xf32, #tpu.memory_space<hbm>> -> memref<128x128xf32, #tpu.memory_space<hbm>>
      %dma_start3A_259 = arith.constant 0 : i32
      %dma_start3A_260 = tpu.memref_slice %arg4[%add3A_135, %dma_start3A_259] : memref<65536x128xf32, #tpu.memory_space<hbm>> -> memref<128x128xf32, #tpu.memory_space<hbm>>
      tpu.enqueue_dma source(%arg7 : memref<128x128xf32, #tpu.memory_space<vmem>>) target(%dma_start3A_260 : memref<128x128xf32, #tpu.memory_space<hbm>>) target_semaphore(%run_scoped3A : memref<!tpu.dma_semaphore, #tpu.memory_space<semaphore_mem>>)
      %dma_wait3A_261 = arith.constant 0 : i32
      %dma_wait3A_262 = tpu.memref_slice %arg4[%add3A_135, %dma_wait3A_261] : memref<65536x128xf32, #tpu.memory_space<hbm>> -> memref<128x128xf32, #tpu.memory_space<hbm>>
      %dma_wait3A_263 = arith.constant 0 : i32
      %dma_wait3A_264 = tpu.memref_slice %arg4[%add3A_135, %dma_wait3A_263] : memref<65536x128xf32, #tpu.memory_space<hbm>> -> memref<128x128xf32, #tpu.memory_space<hbm>>
      tpu.wait_dma2 semaphore(%run_scoped3A : memref<!tpu.dma_semaphore, #tpu.memory_space<semaphore_mem>>) src(%arg7 : memref<128x128xf32, #tpu.memory_space<vmem>>) dst(%dma_wait3A_264 : memref<128x128xf32, #tpu.memory_space<hbm>>)
      tpu.yield
    }) : () -> ()
    %dma_start3A_136 = arith.constant 9 : i32
    %dma_start3A_137 = arith.constant 0 : i32
    %dma_start3A_138 = tpu.memref_slice %arg5[%dma_start3A_136, %dma_start3A_137] : memref<16x128xi32, #tpu.memory_space<vmem>> -> memref<1x128xi32, #tpu.memory_space<vmem>>
    %dma_start3A_139 = tpu.memref_squeeze %dma_start3A_138 : memref<1x128xi32, #tpu.memory_space<vmem>> -> memref<128xi32, #tpu.memory_space<vmem>>
    %dma_start3A_140 = arith.constant 0 : i32
    %dma_start3A_141 = arith.constant 0 : i32
    %dma_start3A_142 = tpu.memref_slice %arg2[%dma_start3A_140, %dma_start3A_141] : memref<1000000x128xf32, #tpu.memory_space<hbm>> -> memref<1000000x128xf32, #tpu.memory_space<hbm>>
    tpu.enqueue_indirect_dma source(%dma_start3A_142 : memref<1000000x128xf32, #tpu.memory_space<hbm>>) target(%arg7 : memref<128x128xf32, #tpu.memory_space<vmem>>) offsets(%dma_start3A_139 : memref<128xi32, #tpu.memory_space<vmem>>) semaphore(%arg9 : memref<!tpu.dma_semaphore, #tpu.memory_space<semaphore_mem>>)
    %dma_wait3A_143 = arith.constant 8 : i32
    %dma_wait3A_144 = arith.constant 0 : i32
    %dma_wait3A_145 = tpu.memref_slice %arg5[%dma_wait3A_143, %dma_wait3A_144] : memref<16x128xi32, #tpu.memory_space<vmem>> -> memref<1x128xi32, #tpu.memory_space<vmem>>
    %dma_wait3A_146 = tpu.memref_squeeze %dma_wait3A_145 : memref<1x128xi32, #tpu.memory_space<vmem>> -> memref<128xi32, #tpu.memory_space<vmem>>
    %dma_wait3A_147 = arith.constant 0 : i32
    %dma_wait3A_148 = arith.constant 0 : i32
    %dma_wait3A_149 = tpu.memref_slice %arg2[%dma_wait3A_147, %dma_wait3A_148] : memref<1000000x128xf32, #tpu.memory_space<hbm>> -> memref<1000000x128xf32, #tpu.memory_space<hbm>>
    tpu.wait_indirect_dma semaphore(%arg8 : memref<!tpu.dma_semaphore, #tpu.memory_space<semaphore_mem>>) src(%dma_wait3A_149 : memref<1000000x128xf32, #tpu.memory_space<hbm>>) dst(%arg6 : memref<128x128xf32, #tpu.memory_space<vmem>>)
    %add3A_150 = arith.constant 1024 : i32
    %add3A_151 = arith.addi %mul3A_2, %add3A_150 : i32
    "tpu.region"() ({
      %run_scoped3A = tpu.sem_alloc : memref<!tpu.dma_semaphore, #tpu.memory_space<semaphore_mem>>
      %dma_start3A_257 = arith.constant 0 : i32
      %dma_start3A_258 = tpu.memref_slice %arg4[%add3A_151, %dma_start3A_257] : memref<65536x128xf32, #tpu.memory_space<hbm>> -> memref<128x128xf32, #tpu.memory_space<hbm>>
      %dma_start3A_259 = arith.constant 0 : i32
      %dma_start3A_260 = tpu.memref_slice %arg4[%add3A_151, %dma_start3A_259] : memref<65536x128xf32, #tpu.memory_space<hbm>> -> memref<128x128xf32, #tpu.memory_space<hbm>>
      tpu.enqueue_dma source(%arg6 : memref<128x128xf32, #tpu.memory_space<vmem>>) target(%dma_start3A_260 : memref<128x128xf32, #tpu.memory_space<hbm>>) target_semaphore(%run_scoped3A : memref<!tpu.dma_semaphore, #tpu.memory_space<semaphore_mem>>)
      %dma_wait3A_261 = arith.constant 0 : i32
      %dma_wait3A_262 = tpu.memref_slice %arg4[%add3A_151, %dma_wait3A_261] : memref<65536x128xf32, #tpu.memory_space<hbm>> -> memref<128x128xf32, #tpu.memory_space<hbm>>
      %dma_wait3A_263 = arith.constant 0 : i32
      %dma_wait3A_264 = tpu.memref_slice %arg4[%add3A_151, %dma_wait3A_263] : memref<65536x128xf32, #tpu.memory_space<hbm>> -> memref<128x128xf32, #tpu.memory_space<hbm>>
      tpu.wait_dma2 semaphore(%run_scoped3A : memref<!tpu.dma_semaphore, #tpu.memory_space<semaphore_mem>>) src(%arg6 : memref<128x128xf32, #tpu.memory_space<vmem>>) dst(%dma_wait3A_264 : memref<128x128xf32, #tpu.memory_space<hbm>>)
      tpu.yield
    }) : () -> ()
    %dma_start3A_152 = arith.constant 10 : i32
    %dma_start3A_153 = arith.constant 0 : i32
    %dma_start3A_154 = tpu.memref_slice %arg5[%dma_start3A_152, %dma_start3A_153] : memref<16x128xi32, #tpu.memory_space<vmem>> -> memref<1x128xi32, #tpu.memory_space<vmem>>
    %dma_start3A_155 = tpu.memref_squeeze %dma_start3A_154 : memref<1x128xi32, #tpu.memory_space<vmem>> -> memref<128xi32, #tpu.memory_space<vmem>>
    %dma_start3A_156 = arith.constant 0 : i32
    %dma_start3A_157 = arith.constant 0 : i32
    %dma_start3A_158 = tpu.memref_slice %arg2[%dma_start3A_156, %dma_start3A_157] : memref<1000000x128xf32, #tpu.memory_space<hbm>> -> memref<1000000x128xf32, #tpu.memory_space<hbm>>
    tpu.enqueue_indirect_dma source(%dma_start3A_158 : memref<1000000x128xf32, #tpu.memory_space<hbm>>) target(%arg6 : memref<128x128xf32, #tpu.memory_space<vmem>>) offsets(%dma_start3A_155 : memref<128xi32, #tpu.memory_space<vmem>>) semaphore(%arg8 : memref<!tpu.dma_semaphore, #tpu.memory_space<semaphore_mem>>)
    %dma_wait3A_159 = arith.constant 9 : i32
    %dma_wait3A_160 = arith.constant 0 : i32
    %dma_wait3A_161 = tpu.memref_slice %arg5[%dma_wait3A_159, %dma_wait3A_160] : memref<16x128xi32, #tpu.memory_space<vmem>> -> memref<1x128xi32, #tpu.memory_space<vmem>>
    %dma_wait3A_162 = tpu.memref_squeeze %dma_wait3A_161 : memref<1x128xi32, #tpu.memory_space<vmem>> -> memref<128xi32, #tpu.memory_space<vmem>>
    %dma_wait3A_163 = arith.constant 0 : i32
    %dma_wait3A_164 = arith.constant 0 : i32
    %dma_wait3A_165 = tpu.memref_slice %arg2[%dma_wait3A_163, %dma_wait3A_164] : memref<1000000x128xf32, #tpu.memory_space<hbm>> -> memref<1000000x128xf32, #tpu.memory_space<hbm>>
    tpu.wait_indirect_dma semaphore(%arg9 : memref<!tpu.dma_semaphore, #tpu.memory_space<semaphore_mem>>) src(%dma_wait3A_165 : memref<1000000x128xf32, #tpu.memory_space<hbm>>) dst(%arg7 : memref<128x128xf32, #tpu.memory_space<vmem>>)
    %add3A_166 = arith.constant 1152 : i32
    %add3A_167 = arith.addi %mul3A_2, %add3A_166 : i32
    "tpu.region"() ({
      %run_scoped3A = tpu.sem_alloc : memref<!tpu.dma_semaphore, #tpu.memory_space<semaphore_mem>>
      %dma_start3A_257 = arith.constant 0 : i32
      %dma_start3A_258 = tpu.memref_slice %arg4[%add3A_167, %dma_start3A_257] : memref<65536x128xf32, #tpu.memory_space<hbm>> -> memref<128x128xf32, #tpu.memory_space<hbm>>
      %dma_start3A_259 = arith.constant 0 : i32
      %dma_start3A_260 = tpu.memref_slice %arg4[%add3A_167, %dma_start3A_259] : memref<65536x128xf32, #tpu.memory_space<hbm>> -> memref<128x128xf32, #tpu.memory_space<hbm>>
      tpu.enqueue_dma source(%arg7 : memref<128x128xf32, #tpu.memory_space<vmem>>) target(%dma_start3A_260 : memref<128x128xf32, #tpu.memory_space<hbm>>) target_semaphore(%run_scoped3A : memref<!tpu.dma_semaphore, #tpu.memory_space<semaphore_mem>>)
      %dma_wait3A_261 = arith.constant 0 : i32
      %dma_wait3A_262 = tpu.memref_slice %arg4[%add3A_167, %dma_wait3A_261] : memref<65536x128xf32, #tpu.memory_space<hbm>> -> memref<128x128xf32, #tpu.memory_space<hbm>>
      %dma_wait3A_263 = arith.constant 0 : i32
      %dma_wait3A_264 = tpu.memref_slice %arg4[%add3A_167, %dma_wait3A_263] : memref<65536x128xf32, #tpu.memory_space<hbm>> -> memref<128x128xf32, #tpu.memory_space<hbm>>
      tpu.wait_dma2 semaphore(%run_scoped3A : memref<!tpu.dma_semaphore, #tpu.memory_space<semaphore_mem>>) src(%arg7 : memref<128x128xf32, #tpu.memory_space<vmem>>) dst(%dma_wait3A_264 : memref<128x128xf32, #tpu.memory_space<hbm>>)
      tpu.yield
    }) : () -> ()
    %dma_start3A_168 = arith.constant 11 : i32
    %dma_start3A_169 = arith.constant 0 : i32
    %dma_start3A_170 = tpu.memref_slice %arg5[%dma_start3A_168, %dma_start3A_169] : memref<16x128xi32, #tpu.memory_space<vmem>> -> memref<1x128xi32, #tpu.memory_space<vmem>>
    %dma_start3A_171 = tpu.memref_squeeze %dma_start3A_170 : memref<1x128xi32, #tpu.memory_space<vmem>> -> memref<128xi32, #tpu.memory_space<vmem>>
    %dma_start3A_172 = arith.constant 0 : i32
    %dma_start3A_173 = arith.constant 0 : i32
    %dma_start3A_174 = tpu.memref_slice %arg2[%dma_start3A_172, %dma_start3A_173] : memref<1000000x128xf32, #tpu.memory_space<hbm>> -> memref<1000000x128xf32, #tpu.memory_space<hbm>>
    tpu.enqueue_indirect_dma source(%dma_start3A_174 : memref<1000000x128xf32, #tpu.memory_space<hbm>>) target(%arg7 : memref<128x128xf32, #tpu.memory_space<vmem>>) offsets(%dma_start3A_171 : memref<128xi32, #tpu.memory_space<vmem>>) semaphore(%arg9 : memref<!tpu.dma_semaphore, #tpu.memory_space<semaphore_mem>>)
    %dma_wait3A_175 = arith.constant 10 : i32
    %dma_wait3A_176 = arith.constant 0 : i32
    %dma_wait3A_177 = tpu.memref_slice %arg5[%dma_wait3A_175, %dma_wait3A_176] : memref<16x128xi32, #tpu.memory_space<vmem>> -> memref<1x128xi32, #tpu.memory_space<vmem>>
    %dma_wait3A_178 = tpu.memref_squeeze %dma_wait3A_177 : memref<1x128xi32, #tpu.memory_space<vmem>> -> memref<128xi32, #tpu.memory_space<vmem>>
    %dma_wait3A_179 = arith.constant 0 : i32
    %dma_wait3A_180 = arith.constant 0 : i32
    %dma_wait3A_181 = tpu.memref_slice %arg2[%dma_wait3A_179, %dma_wait3A_180] : memref<1000000x128xf32, #tpu.memory_space<hbm>> -> memref<1000000x128xf32, #tpu.memory_space<hbm>>
    tpu.wait_indirect_dma semaphore(%arg8 : memref<!tpu.dma_semaphore, #tpu.memory_space<semaphore_mem>>) src(%dma_wait3A_181 : memref<1000000x128xf32, #tpu.memory_space<hbm>>) dst(%arg6 : memref<128x128xf32, #tpu.memory_space<vmem>>)
    %add3A_182 = arith.constant 1280 : i32
    %add3A_183 = arith.addi %mul3A_2, %add3A_182 : i32
    "tpu.region"() ({
      %run_scoped3A = tpu.sem_alloc : memref<!tpu.dma_semaphore, #tpu.memory_space<semaphore_mem>>
      %dma_start3A_257 = arith.constant 0 : i32
      %dma_start3A_258 = tpu.memref_slice %arg4[%add3A_183, %dma_start3A_257] : memref<65536x128xf32, #tpu.memory_space<hbm>> -> memref<128x128xf32, #tpu.memory_space<hbm>>
      %dma_start3A_259 = arith.constant 0 : i32
      %dma_start3A_260 = tpu.memref_slice %arg4[%add3A_183, %dma_start3A_259] : memref<65536x128xf32, #tpu.memory_space<hbm>> -> memref<128x128xf32, #tpu.memory_space<hbm>>
      tpu.enqueue_dma source(%arg6 : memref<128x128xf32, #tpu.memory_space<vmem>>) target(%dma_start3A_260 : memref<128x128xf32, #tpu.memory_space<hbm>>) target_semaphore(%run_scoped3A : memref<!tpu.dma_semaphore, #tpu.memory_space<semaphore_mem>>)
      %dma_wait3A_261 = arith.constant 0 : i32
      %dma_wait3A_262 = tpu.memref_slice %arg4[%add3A_183, %dma_wait3A_261] : memref<65536x128xf32, #tpu.memory_space<hbm>> -> memref<128x128xf32, #tpu.memory_space<hbm>>
      %dma_wait3A_263 = arith.constant 0 : i32
      %dma_wait3A_264 = tpu.memref_slice %arg4[%add3A_183, %dma_wait3A_263] : memref<65536x128xf32, #tpu.memory_space<hbm>> -> memref<128x128xf32, #tpu.memory_space<hbm>>
      tpu.wait_dma2 semaphore(%run_scoped3A : memref<!tpu.dma_semaphore, #tpu.memory_space<semaphore_mem>>) src(%arg6 : memref<128x128xf32, #tpu.memory_space<vmem>>) dst(%dma_wait3A_264 : memref<128x128xf32, #tpu.memory_space<hbm>>)
      tpu.yield
    }) : () -> ()
    %dma_start3A_184 = arith.constant 12 : i32
    %dma_start3A_185 = arith.constant 0 : i32
    %dma_start3A_186 = tpu.memref_slice %arg5[%dma_start3A_184, %dma_start3A_185] : memref<16x128xi32, #tpu.memory_space<vmem>> -> memref<1x128xi32, #tpu.memory_space<vmem>>
    %dma_start3A_187 = tpu.memref_squeeze %dma_start3A_186 : memref<1x128xi32, #tpu.memory_space<vmem>> -> memref<128xi32, #tpu.memory_space<vmem>>
    %dma_start3A_188 = arith.constant 0 : i32
    %dma_start3A_189 = arith.constant 0 : i32
    %dma_start3A_190 = tpu.memref_slice %arg2[%dma_start3A_188, %dma_start3A_189] : memref<1000000x128xf32, #tpu.memory_space<hbm>> -> memref<1000000x128xf32, #tpu.memory_space<hbm>>
    tpu.enqueue_indirect_dma source(%dma_start3A_190 : memref<1000000x128xf32, #tpu.memory_space<hbm>>) target(%arg6 : memref<128x128xf32, #tpu.memory_space<vmem>>) offsets(%dma_start3A_187 : memref<128xi32, #tpu.memory_space<vmem>>) semaphore(%arg8 : memref<!tpu.dma_semaphore, #tpu.memory_space<semaphore_mem>>)
    %dma_wait3A_191 = arith.constant 11 : i32
    %dma_wait3A_192 = arith.constant 0 : i32
    %dma_wait3A_193 = tpu.memref_slice %arg5[%dma_wait3A_191, %dma_wait3A_192] : memref<16x128xi32, #tpu.memory_space<vmem>> -> memref<1x128xi32, #tpu.memory_space<vmem>>
    %dma_wait3A_194 = tpu.memref_squeeze %dma_wait3A_193 : memref<1x128xi32, #tpu.memory_space<vmem>> -> memref<128xi32, #tpu.memory_space<vmem>>
    %dma_wait3A_195 = arith.constant 0 : i32
    %dma_wait3A_196 = arith.constant 0 : i32
    %dma_wait3A_197 = tpu.memref_slice %arg2[%dma_wait3A_195, %dma_wait3A_196] : memref<1000000x128xf32, #tpu.memory_space<hbm>> -> memref<1000000x128xf32, #tpu.memory_space<hbm>>
    tpu.wait_indirect_dma semaphore(%arg9 : memref<!tpu.dma_semaphore, #tpu.memory_space<semaphore_mem>>) src(%dma_wait3A_197 : memref<1000000x128xf32, #tpu.memory_space<hbm>>) dst(%arg7 : memref<128x128xf32, #tpu.memory_space<vmem>>)
    %add3A_198 = arith.constant 1408 : i32
    %add3A_199 = arith.addi %mul3A_2, %add3A_198 : i32
    "tpu.region"() ({
      %run_scoped3A = tpu.sem_alloc : memref<!tpu.dma_semaphore, #tpu.memory_space<semaphore_mem>>
      %dma_start3A_257 = arith.constant 0 : i32
      %dma_start3A_258 = tpu.memref_slice %arg4[%add3A_199, %dma_start3A_257] : memref<65536x128xf32, #tpu.memory_space<hbm>> -> memref<128x128xf32, #tpu.memory_space<hbm>>
      %dma_start3A_259 = arith.constant 0 : i32
      %dma_start3A_260 = tpu.memref_slice %arg4[%add3A_199, %dma_start3A_259] : memref<65536x128xf32, #tpu.memory_space<hbm>> -> memref<128x128xf32, #tpu.memory_space<hbm>>
      tpu.enqueue_dma source(%arg7 : memref<128x128xf32, #tpu.memory_space<vmem>>) target(%dma_start3A_260 : memref<128x128xf32, #tpu.memory_space<hbm>>) target_semaphore(%run_scoped3A : memref<!tpu.dma_semaphore, #tpu.memory_space<semaphore_mem>>)
      %dma_wait3A_261 = arith.constant 0 : i32
      %dma_wait3A_262 = tpu.memref_slice %arg4[%add3A_199, %dma_wait3A_261] : memref<65536x128xf32, #tpu.memory_space<hbm>> -> memref<128x128xf32, #tpu.memory_space<hbm>>
      %dma_wait3A_263 = arith.constant 0 : i32
      %dma_wait3A_264 = tpu.memref_slice %arg4[%add3A_199, %dma_wait3A_263] : memref<65536x128xf32, #tpu.memory_space<hbm>> -> memref<128x128xf32, #tpu.memory_space<hbm>>
      tpu.wait_dma2 semaphore(%run_scoped3A : memref<!tpu.dma_semaphore, #tpu.memory_space<semaphore_mem>>) src(%arg7 : memref<128x128xf32, #tpu.memory_space<vmem>>) dst(%dma_wait3A_264 : memref<128x128xf32, #tpu.memory_space<hbm>>)
      tpu.yield
    }) : () -> ()
    %dma_start3A_200 = arith.constant 13 : i32
    %dma_start3A_201 = arith.constant 0 : i32
    %dma_start3A_202 = tpu.memref_slice %arg5[%dma_start3A_200, %dma_start3A_201] : memref<16x128xi32, #tpu.memory_space<vmem>> -> memref<1x128xi32, #tpu.memory_space<vmem>>
    %dma_start3A_203 = tpu.memref_squeeze %dma_start3A_202 : memref<1x128xi32, #tpu.memory_space<vmem>> -> memref<128xi32, #tpu.memory_space<vmem>>
    %dma_start3A_204 = arith.constant 0 : i32
    %dma_start3A_205 = arith.constant 0 : i32
    %dma_start3A_206 = tpu.memref_slice %arg2[%dma_start3A_204, %dma_start3A_205] : memref<1000000x128xf32, #tpu.memory_space<hbm>> -> memref<1000000x128xf32, #tpu.memory_space<hbm>>
    tpu.enqueue_indirect_dma source(%dma_start3A_206 : memref<1000000x128xf32, #tpu.memory_space<hbm>>) target(%arg7 : memref<128x128xf32, #tpu.memory_space<vmem>>) offsets(%dma_start3A_203 : memref<128xi32, #tpu.memory_space<vmem>>) semaphore(%arg9 : memref<!tpu.dma_semaphore, #tpu.memory_space<semaphore_mem>>)
    %dma_wait3A_207 = arith.constant 12 : i32
    %dma_wait3A_208 = arith.constant 0 : i32
    %dma_wait3A_209 = tpu.memref_slice %arg5[%dma_wait3A_207, %dma_wait3A_208] : memref<16x128xi32, #tpu.memory_space<vmem>> -> memref<1x128xi32, #tpu.memory_space<vmem>>
    %dma_wait3A_210 = tpu.memref_squeeze %dma_wait3A_209 : memref<1x128xi32, #tpu.memory_space<vmem>> -> memref<128xi32, #tpu.memory_space<vmem>>
    %dma_wait3A_211 = arith.constant 0 : i32
    %dma_wait3A_212 = arith.constant 0 : i32
    %dma_wait3A_213 = tpu.memref_slice %arg2[%dma_wait3A_211, %dma_wait3A_212] : memref<1000000x128xf32, #tpu.memory_space<hbm>> -> memref<1000000x128xf32, #tpu.memory_space<hbm>>
    tpu.wait_indirect_dma semaphore(%arg8 : memref<!tpu.dma_semaphore, #tpu.memory_space<semaphore_mem>>) src(%dma_wait3A_213 : memref<1000000x128xf32, #tpu.memory_space<hbm>>) dst(%arg6 : memref<128x128xf32, #tpu.memory_space<vmem>>)
    %add3A_214 = arith.constant 1536 : i32
    %add3A_215 = arith.addi %mul3A_2, %add3A_214 : i32
    "tpu.region"() ({
      %run_scoped3A = tpu.sem_alloc : memref<!tpu.dma_semaphore, #tpu.memory_space<semaphore_mem>>
      %dma_start3A_257 = arith.constant 0 : i32
      %dma_start3A_258 = tpu.memref_slice %arg4[%add3A_215, %dma_start3A_257] : memref<65536x128xf32, #tpu.memory_space<hbm>> -> memref<128x128xf32, #tpu.memory_space<hbm>>
      %dma_start3A_259 = arith.constant 0 : i32
      %dma_start3A_260 = tpu.memref_slice %arg4[%add3A_215, %dma_start3A_259] : memref<65536x128xf32, #tpu.memory_space<hbm>> -> memref<128x128xf32, #tpu.memory_space<hbm>>
      tpu.enqueue_dma source(%arg6 : memref<128x128xf32, #tpu.memory_space<vmem>>) target(%dma_start3A_260 : memref<128x128xf32, #tpu.memory_space<hbm>>) target_semaphore(%run_scoped3A : memref<!tpu.dma_semaphore, #tpu.memory_space<semaphore_mem>>)
      %dma_wait3A_261 = arith.constant 0 : i32
      %dma_wait3A_262 = tpu.memref_slice %arg4[%add3A_215, %dma_wait3A_261] : memref<65536x128xf32, #tpu.memory_space<hbm>> -> memref<128x128xf32, #tpu.memory_space<hbm>>
      %dma_wait3A_263 = arith.constant 0 : i32
      %dma_wait3A_264 = tpu.memref_slice %arg4[%add3A_215, %dma_wait3A_263] : memref<65536x128xf32, #tpu.memory_space<hbm>> -> memref<128x128xf32, #tpu.memory_space<hbm>>
      tpu.wait_dma2 semaphore(%run_scoped3A : memref<!tpu.dma_semaphore, #tpu.memory_space<semaphore_mem>>) src(%arg6 : memref<128x128xf32, #tpu.memory_space<vmem>>) dst(%dma_wait3A_264 : memref<128x128xf32, #tpu.memory_space<hbm>>)
      tpu.yield
    }) : () -> ()
    %dma_start3A_216 = arith.constant 14 : i32
    %dma_start3A_217 = arith.constant 0 : i32
    %dma_start3A_218 = tpu.memref_slice %arg5[%dma_start3A_216, %dma_start3A_217] : memref<16x128xi32, #tpu.memory_space<vmem>> -> memref<1x128xi32, #tpu.memory_space<vmem>>
    %dma_start3A_219 = tpu.memref_squeeze %dma_start3A_218 : memref<1x128xi32, #tpu.memory_space<vmem>> -> memref<128xi32, #tpu.memory_space<vmem>>
    %dma_start3A_220 = arith.constant 0 : i32
    %dma_start3A_221 = arith.constant 0 : i32
    %dma_start3A_222 = tpu.memref_slice %arg2[%dma_start3A_220, %dma_start3A_221] : memref<1000000x128xf32, #tpu.memory_space<hbm>> -> memref<1000000x128xf32, #tpu.memory_space<hbm>>
    tpu.enqueue_indirect_dma source(%dma_start3A_222 : memref<1000000x128xf32, #tpu.memory_space<hbm>>) target(%arg6 : memref<128x128xf32, #tpu.memory_space<vmem>>) offsets(%dma_start3A_219 : memref<128xi32, #tpu.memory_space<vmem>>) semaphore(%arg8 : memref<!tpu.dma_semaphore, #tpu.memory_space<semaphore_mem>>)
    %dma_wait3A_223 = arith.constant 13 : i32
    %dma_wait3A_224 = arith.constant 0 : i32
    %dma_wait3A_225 = tpu.memref_slice %arg5[%dma_wait3A_223, %dma_wait3A_224] : memref<16x128xi32, #tpu.memory_space<vmem>> -> memref<1x128xi32, #tpu.memory_space<vmem>>
    %dma_wait3A_226 = tpu.memref_squeeze %dma_wait3A_225 : memref<1x128xi32, #tpu.memory_space<vmem>> -> memref<128xi32, #tpu.memory_space<vmem>>
    %dma_wait3A_227 = arith.constant 0 : i32
    %dma_wait3A_228 = arith.constant 0 : i32
    %dma_wait3A_229 = tpu.memref_slice %arg2[%dma_wait3A_227, %dma_wait3A_228] : memref<1000000x128xf32, #tpu.memory_space<hbm>> -> memref<1000000x128xf32, #tpu.memory_space<hbm>>
    tpu.wait_indirect_dma semaphore(%arg9 : memref<!tpu.dma_semaphore, #tpu.memory_space<semaphore_mem>>) src(%dma_wait3A_229 : memref<1000000x128xf32, #tpu.memory_space<hbm>>) dst(%arg7 : memref<128x128xf32, #tpu.memory_space<vmem>>)
    %add3A_230 = arith.constant 1664 : i32
    %add3A_231 = arith.addi %mul3A_2, %add3A_230 : i32
    "tpu.region"() ({
      %run_scoped3A = tpu.sem_alloc : memref<!tpu.dma_semaphore, #tpu.memory_space<semaphore_mem>>
      %dma_start3A_257 = arith.constant 0 : i32
      %dma_start3A_258 = tpu.memref_slice %arg4[%add3A_231, %dma_start3A_257] : memref<65536x128xf32, #tpu.memory_space<hbm>> -> memref<128x128xf32, #tpu.memory_space<hbm>>
      %dma_start3A_259 = arith.constant 0 : i32
      %dma_start3A_260 = tpu.memref_slice %arg4[%add3A_231, %dma_start3A_259] : memref<65536x128xf32, #tpu.memory_space<hbm>> -> memref<128x128xf32, #tpu.memory_space<hbm>>
      tpu.enqueue_dma source(%arg7 : memref<128x128xf32, #tpu.memory_space<vmem>>) target(%dma_start3A_260 : memref<128x128xf32, #tpu.memory_space<hbm>>) target_semaphore(%run_scoped3A : memref<!tpu.dma_semaphore, #tpu.memory_space<semaphore_mem>>)
      %dma_wait3A_261 = arith.constant 0 : i32
      %dma_wait3A_262 = tpu.memref_slice %arg4[%add3A_231, %dma_wait3A_261] : memref<65536x128xf32, #tpu.memory_space<hbm>> -> memref<128x128xf32, #tpu.memory_space<hbm>>
      %dma_wait3A_263 = arith.constant 0 : i32
      %dma_wait3A_264 = tpu.memref_slice %arg4[%add3A_231, %dma_wait3A_263] : memref<65536x128xf32, #tpu.memory_space<hbm>> -> memref<128x128xf32, #tpu.memory_space<hbm>>
      tpu.wait_dma2 semaphore(%run_scoped3A : memref<!tpu.dma_semaphore, #tpu.memory_space<semaphore_mem>>) src(%arg7 : memref<128x128xf32, #tpu.memory_space<vmem>>) dst(%dma_wait3A_264 : memref<128x128xf32, #tpu.memory_space<hbm>>)
      tpu.yield
    }) : () -> ()
    %dma_start3A_232 = arith.constant 15 : i32
    %dma_start3A_233 = arith.constant 0 : i32
    %dma_start3A_234 = tpu.memref_slice %arg5[%dma_start3A_232, %dma_start3A_233] : memref<16x128xi32, #tpu.memory_space<vmem>> -> memref<1x128xi32, #tpu.memory_space<vmem>>
    %dma_start3A_235 = tpu.memref_squeeze %dma_start3A_234 : memref<1x128xi32, #tpu.memory_space<vmem>> -> memref<128xi32, #tpu.memory_space<vmem>>
    %dma_start3A_236 = arith.constant 0 : i32
    %dma_start3A_237 = arith.constant 0 : i32
    %dma_start3A_238 = tpu.memref_slice %arg2[%dma_start3A_236, %dma_start3A_237] : memref<1000000x128xf32, #tpu.memory_space<hbm>> -> memref<1000000x128xf32, #tpu.memory_space<hbm>>
    tpu.enqueue_indirect_dma source(%dma_start3A_238 : memref<1000000x128xf32, #tpu.memory_space<hbm>>) target(%arg7 : memref<128x128xf32, #tpu.memory_space<vmem>>) offsets(%dma_start3A_235 : memref<128xi32, #tpu.memory_space<vmem>>) semaphore(%arg9 : memref<!tpu.dma_semaphore, #tpu.memory_space<semaphore_mem>>)
    %dma_wait3A_239 = arith.constant 14 : i32
    %dma_wait3A_240 = arith.constant 0 : i32
    %dma_wait3A_241 = tpu.memref_slice %arg5[%dma_wait3A_239, %dma_wait3A_240] : memref<16x128xi32, #tpu.memory_space<vmem>> -> memref<1x128xi32, #tpu.memory_space<vmem>>
    %dma_wait3A_242 = tpu.memref_squeeze %dma_wait3A_241 : memref<1x128xi32, #tpu.memory_space<vmem>> -> memref<128xi32, #tpu.memory_space<vmem>>
    %dma_wait3A_243 = arith.constant 0 : i32
    %dma_wait3A_244 = arith.constant 0 : i32
    %dma_wait3A_245 = tpu.memref_slice %arg2[%dma_wait3A_243, %dma_wait3A_244] : memref<1000000x128xf32, #tpu.memory_space<hbm>> -> memref<1000000x128xf32, #tpu.memory_space<hbm>>
    tpu.wait_indirect_dma semaphore(%arg8 : memref<!tpu.dma_semaphore, #tpu.memory_space<semaphore_mem>>) src(%dma_wait3A_245 : memref<1000000x128xf32, #tpu.memory_space<hbm>>) dst(%arg6 : memref<128x128xf32, #tpu.memory_space<vmem>>)
    %add3A_246 = arith.constant 1792 : i32
    %add3A_247 = arith.addi %mul3A_2, %add3A_246 : i32
    "tpu.region"() ({
      %run_scoped3A = tpu.sem_alloc : memref<!tpu.dma_semaphore, #tpu.memory_space<semaphore_mem>>
      %dma_start3A_257 = arith.constant 0 : i32
      %dma_start3A_258 = tpu.memref_slice %arg4[%add3A_247, %dma_start3A_257] : memref<65536x128xf32, #tpu.memory_space<hbm>> -> memref<128x128xf32, #tpu.memory_space<hbm>>
      %dma_start3A_259 = arith.constant 0 : i32
      %dma_start3A_260 = tpu.memref_slice %arg4[%add3A_247, %dma_start3A_259] : memref<65536x128xf32, #tpu.memory_space<hbm>> -> memref<128x128xf32, #tpu.memory_space<hbm>>
      tpu.enqueue_dma source(%arg6 : memref<128x128xf32, #tpu.memory_space<vmem>>) target(%dma_start3A_260 : memref<128x128xf32, #tpu.memory_space<hbm>>) target_semaphore(%run_scoped3A : memref<!tpu.dma_semaphore, #tpu.memory_space<semaphore_mem>>)
      %dma_wait3A_261 = arith.constant 0 : i32
      %dma_wait3A_262 = tpu.memref_slice %arg4[%add3A_247, %dma_wait3A_261] : memref<65536x128xf32, #tpu.memory_space<hbm>> -> memref<128x128xf32, #tpu.memory_space<hbm>>
      %dma_wait3A_263 = arith.constant 0 : i32
      %dma_wait3A_264 = tpu.memref_slice %arg4[%add3A_247, %dma_wait3A_263] : memref<65536x128xf32, #tpu.memory_space<hbm>> -> memref<128x128xf32, #tpu.memory_space<hbm>>
      tpu.wait_dma2 semaphore(%run_scoped3A : memref<!tpu.dma_semaphore, #tpu.memory_space<semaphore_mem>>) src(%arg6 : memref<128x128xf32, #tpu.memory_space<vmem>>) dst(%dma_wait3A_264 : memref<128x128xf32, #tpu.memory_space<hbm>>)
      tpu.yield
    }) : () -> ()
    %dma_wait3A_248 = arith.constant 15 : i32
    %dma_wait3A_249 = arith.constant 0 : i32
    %dma_wait3A_250 = tpu.memref_slice %arg5[%dma_wait3A_248, %dma_wait3A_249] : memref<16x128xi32, #tpu.memory_space<vmem>> -> memref<1x128xi32, #tpu.memory_space<vmem>>
    %dma_wait3A_251 = tpu.memref_squeeze %dma_wait3A_250 : memref<1x128xi32, #tpu.memory_space<vmem>> -> memref<128xi32, #tpu.memory_space<vmem>>
    %dma_wait3A_252 = arith.constant 0 : i32
    %dma_wait3A_253 = arith.constant 0 : i32
    %dma_wait3A_254 = tpu.memref_slice %arg2[%dma_wait3A_252, %dma_wait3A_253] : memref<1000000x128xf32, #tpu.memory_space<hbm>> -> memref<1000000x128xf32, #tpu.memory_space<hbm>>
    tpu.wait_indirect_dma semaphore(%arg9 : memref<!tpu.dma_semaphore, #tpu.memory_space<semaphore_mem>>) src(%dma_wait3A_254 : memref<1000000x128xf32, #tpu.memory_space<hbm>>) dst(%arg7 : memref<128x128xf32, #tpu.memory_space<vmem>>)
    %add3A_255 = arith.constant 1920 : i32
    %add3A_256 = arith.addi %mul3A_2, %add3A_255 : i32
    "tpu.region"() ({
      %run_scoped3A = tpu.sem_alloc : memref<!tpu.dma_semaphore, #tpu.memory_space<semaphore_mem>>
      %dma_start3A_257 = arith.constant 0 : i32
      %dma_start3A_258 = tpu.memref_slice %arg4[%add3A_256, %dma_start3A_257] : memref<65536x128xf32, #tpu.memory_space<hbm>> -> memref<128x128xf32, #tpu.memory_space<hbm>>
      %dma_start3A_259 = arith.constant 0 : i32
      %dma_start3A_260 = tpu.memref_slice %arg4[%add3A_256, %dma_start3A_259] : memref<65536x128xf32, #tpu.memory_space<hbm>> -> memref<128x128xf32, #tpu.memory_space<hbm>>
      tpu.enqueue_dma source(%arg7 : memref<128x128xf32, #tpu.memory_space<vmem>>) target(%dma_start3A_260 : memref<128x128xf32, #tpu.memory_space<hbm>>) target_semaphore(%run_scoped3A : memref<!tpu.dma_semaphore, #tpu.memory_space<semaphore_mem>>)
      %dma_wait3A_261 = arith.constant 0 : i32
      %dma_wait3A_262 = tpu.memref_slice %arg4[%add3A_256, %dma_wait3A_261] : memref<65536x128xf32, #tpu.memory_space<hbm>> -> memref<128x128xf32, #tpu.memory_space<hbm>>
      %dma_wait3A_263 = arith.constant 0 : i32
      %dma_wait3A_264 = tpu.memref_slice %arg4[%add3A_256, %dma_wait3A_263] : memref<65536x128xf32, #tpu.memory_space<hbm>> -> memref<128x128xf32, #tpu.memory_space<hbm>>
      tpu.wait_dma2 semaphore(%run_scoped3A : memref<!tpu.dma_semaphore, #tpu.memory_space<semaphore_mem>>) src(%arg7 : memref<128x128xf32, #tpu.memory_space<vmem>>) dst(%dma_wait3A_264 : memref<128x128xf32, #tpu.memory_space<hbm>>)
      tpu.yield
    }) : () -> ()
    return
  }
}

module attributes {stable_mosaic.version = 14 : i64} {
  func.func @_tc_body(%arg0: i32, %arg1: memref<256x1xi32, #tpu.memory_space<vmem>>, %arg2: memref<1x256x128xf32, #tpu.memory_space<vmem>>, %arg3: memref<1x256x128xf32, #tpu.memory_space<vmem>>, %arg4: memref<1x256x128xf32, #tpu.memory_space<vmem>>, %arg5: memref<1x256x128xf32, #tpu.memory_space<vmem>>, %arg6: memref<1024x4096xbf16, #tpu.memory_space<vmem>>, %arg7: memref<64x4096xbf16, #tpu.memory_space<vmem>>, %arg8: memref<64x4096xbf16, #tpu.memory_space<vmem>>, %arg9: memref<1x256x1xf32, #tpu.memory_space<vmem>>, %arg10: memref<1x256x1xf32, #tpu.memory_space<vmem>>, %arg11: memref<1x128xf32, #tpu.memory_space<vmem>>, %arg12: memref<1x128xf32, #tpu.memory_space<vmem>>, %arg13: memref<8xf32, #tpu.memory_space<smem>>) attributes {dimension_semantics = [#tpu.dimension_semantics<arbitrary>], iteration_bounds = array<i64: 64>, scalar_prefetch = 0 : i64, scratch_operands = 1 : i64, tpu.core_type = #tpu.core_type<tc>, window_params = [{transform_indices = @transform_0, window_bounds = array<i64: 256, 1>}, {transform_indices = @transform_1, window_bounds = array<i64: 1, 256, 128>}, {transform_indices = @transform_2, window_bounds = array<i64: 1, 256, 128>}, {transform_indices = @transform_3, window_bounds = array<i64: 1, 256, 128>}, {transform_indices = @transform_4, window_bounds = array<i64: 1, 256, 128>}, {pipeline_mode = #tpu.pipeline_mode<synchronous>, transform_indices = @transform_5, window_bounds = array<i64: 1024, 4096>}, {pipeline_mode = #tpu.pipeline_mode<synchronous>, transform_indices = @transform_6, window_bounds = array<i64: 64, 4096>}, {pipeline_mode = #tpu.pipeline_mode<synchronous>, transform_indices = @transform_7, window_bounds = array<i64: 64, 4096>}, {transform_indices = @transform_8, window_bounds = array<i64: 1, 256, 1>}, {transform_indices = @transform_9, window_bounds = array<i64: 1, 256, 1>}, {pipeline_mode = #tpu.pipeline_mode<synchronous>, transform_indices = @transform_10, window_bounds = array<i64: 1, 128>}, {pipeline_mode = #tpu.pipeline_mode<synchronous>, transform_indices = @transform_11, window_bounds = array<i64: 1, 128>}]} {
    %eq3A = arith.constant 0 : i32
    %eq3A_0 = arith.cmpi eq, %arg0, %eq3A : i32
    %convert_element_type3A = arith.extui %eq3A_0 : i1 to i32
    %cond3A = arith.constant 0 : i32
    %cond3A_1 = arith.cmpi ne, %convert_element_type3A, %cond3A : i32
    scf.if %cond3A_1 {
      %swap3A_174 = arith.constant 0.000000e+00 : f32
      %swap3A_175 = arith.constant 0 : index
      %swap3A_176 = memref.load %arg13[%swap3A_175] : memref<8xf32, #tpu.memory_space<smem>>
      memref.store %swap3A_174, %arg13[%swap3A_175] : memref<8xf32, #tpu.memory_space<smem>>
      %swap3A_177 = arith.constant 0.000000e+00 : f32
      %swap3A_178 = arith.constant 1 : index
      %swap3A_179 = memref.load %arg13[%swap3A_178] : memref<8xf32, #tpu.memory_space<smem>>
      memref.store %swap3A_177, %arg13[%swap3A_178] : memref<8xf32, #tpu.memory_space<smem>>
      %swap3A_180 = arith.constant 0.000000e+00 : f32
      %swap3A_181 = arith.constant 2 : index
      %swap3A_182 = memref.load %arg13[%swap3A_181] : memref<8xf32, #tpu.memory_space<smem>>
      memref.store %swap3A_180, %arg13[%swap3A_181] : memref<8xf32, #tpu.memory_space<smem>>
      %swap3A_183 = arith.constant 0.000000e+00 : f32
      %swap3A_184 = arith.constant 3 : index
      %swap3A_185 = memref.load %arg13[%swap3A_184] : memref<8xf32, #tpu.memory_space<smem>>
      memref.store %swap3A_183, %arg13[%swap3A_184] : memref<8xf32, #tpu.memory_space<smem>>
      %swap3A_186 = arith.constant 0.000000e+00 : f32
      %swap3A_187 = arith.constant 4 : index
      %swap3A_188 = memref.load %arg13[%swap3A_187] : memref<8xf32, #tpu.memory_space<smem>>
      memref.store %swap3A_186, %arg13[%swap3A_187] : memref<8xf32, #tpu.memory_space<smem>>
      %broadcast_in_dim3A_189 = arith.constant 0.000000e+00 : f32
      %broadcast_in_dim3A_190 = vector.broadcast %broadcast_in_dim3A_189 : f32 to vector<1x128xf32>
      %swap3A_191 = arith.constant 0 : index
      %swap3A_192 = arith.constant 0 : index
      %swap3A_193 = vector.load %arg11[%swap3A_191, %swap3A_192] : memref<1x128xf32, #tpu.memory_space<vmem>>, vector<1x128xf32>
      tpu.vector_store %arg11[%swap3A_191, %swap3A_192], %broadcast_in_dim3A_190 {strides = array<i32>} : memref<1x128xf32, #tpu.memory_space<vmem>>, vector<1x128xf32>,
      %broadcast_in_dim3A_194 = arith.constant 0.000000e+00 : f32
      %broadcast_in_dim3A_195 = vector.broadcast %broadcast_in_dim3A_194 : f32 to vector<1x128xf32>
      %swap3A_196 = arith.constant 0 : index
      %swap3A_197 = arith.constant 0 : index
      %swap3A_198 = vector.load %arg12[%swap3A_196, %swap3A_197] : memref<1x128xf32, #tpu.memory_space<vmem>>, vector<1x128xf32>
      tpu.vector_store %arg12[%swap3A_196, %swap3A_197], %broadcast_in_dim3A_195 {strides = array<i32>} : memref<1x128xf32, #tpu.memory_space<vmem>>, vector<1x128xf32>,
    } else {
    }
    %get3A = arith.constant 0 : index
    %get3A_2 = arith.constant 0 : index
    %get3A_3 = vector.load %arg1[%get3A, %get3A_2] : memref<256x1xi32, #tpu.memory_space<vmem>>, vector<256x1xi32>
    %iota3A = tpu.iota {dimensions = array<i32: 1>} : vector<256x1024xi32>
    %eq3A_4 = vector.broadcast %get3A_3 : vector<256x1xi32> to vector<256x1024xi32>
    %eq3A_5 = arith.cmpi eq, %eq3A_4, %iota3A : vector<256x1024xi32>
    %convert_element_type3A_6 = arith.extui %eq3A_5 : vector<256x1024xi1> to vector<256x1024xi32>
    %convert_element_type3A_7 = arith.sitofp %convert_element_type3A_6 : vector<256x1024xi32> to vector<256x1024xf32>
    %convert_element_type3A_8 = arith.truncf %convert_element_type3A_7 : vector<256x1024xf32> to vector<256x1024xbf16>
    %get3A_9 = arith.constant 0 : index
    %get3A_10 = arith.constant 0 : index
    %get3A_11 = vector.load %arg6[%get3A_9, %get3A_10] : memref<1024x4096xbf16, #tpu.memory_space<vmem>>, vector<1024x4096xbf16>
    %dot_general3A = arith.constant dense<0.000000e+00> : vector<256x4096xf32>
    %dot_general3A_12 = tpu.matmul %convert_element_type3A_8, %get3A_11, %dot_general3A {dimension_numbers = #tpu.dot_dimension_numbers<[1], [0], [0], [1], [0, 0, 1, 1], [], []>, transpose_lhs_hint = false} : vector<256x1024xbf16>, vector<1024x4096xbf16>, vector<256x4096xf32> -> vector<256x4096xf32>
    %get3A_13 = arith.constant 0 : index
    %get3A_14 = arith.constant 0 : index
    %get3A_15 = arith.constant 0 : index
    %get3A_16 = vector.load %arg2[%get3A_13, %get3A_14, %get3A_15] : memref<1x256x128xf32, #tpu.memory_space<vmem>>, vector<1x256x128xf32>
    %get3A_17 = vector.shape_cast %get3A_16 : vector<1x256x128xf32> to vector<256x128xf32>
    %slice3A = vector.extract_strided_slice %get3A_17 {offsets = [0, 0], sizes = [256, 64], strides = [1, 1]} : vector<256x128xf32> to vector<256x64xf32>
    %get3A_18 = arith.constant 0 : index
    %get3A_19 = arith.constant 0 : index
    %get3A_20 = arith.constant 0 : index
    %get3A_21 = vector.load %arg3[%get3A_18, %get3A_19, %get3A_20] : memref<1x256x128xf32, #tpu.memory_space<vmem>>, vector<1x256x128xf32>
    %get3A_22 = vector.shape_cast %get3A_21 : vector<1x256x128xf32> to vector<256x128xf32>
    %slice3A_23 = vector.extract_strided_slice %get3A_22 {offsets = [0, 0], sizes = [256, 64], strides = [1, 1]} : vector<256x128xf32> to vector<256x64xf32>
    %get3A_24 = arith.constant 0 : index
    %get3A_25 = arith.constant 0 : index
    %get3A_26 = arith.constant 0 : index
    %get3A_27 = vector.load %arg4[%get3A_24, %get3A_25, %get3A_26] : memref<1x256x128xf32, #tpu.memory_space<vmem>>, vector<1x256x128xf32>
    %get3A_28 = vector.shape_cast %get3A_27 : vector<1x256x128xf32> to vector<256x128xf32>
    %slice3A_29 = vector.extract_strided_slice %get3A_28 {offsets = [0, 0], sizes = [256, 64], strides = [1, 1]} : vector<256x128xf32> to vector<256x64xf32>
    %get3A_30 = arith.constant 0 : index
    %get3A_31 = arith.constant 0 : index
    %get3A_32 = arith.constant 0 : index
    %get3A_33 = vector.load %arg5[%get3A_30, %get3A_31, %get3A_32] : memref<1x256x128xf32, #tpu.memory_space<vmem>>, vector<1x256x128xf32>
    %get3A_34 = vector.shape_cast %get3A_33 : vector<1x256x128xf32> to vector<256x128xf32>
    %slice3A_35 = vector.extract_strided_slice %get3A_34 {offsets = [0, 0], sizes = [256, 64], strides = [1, 1]} : vector<256x128xf32> to vector<256x64xf32>
    %mul3A = arith.mulf %slice3A, %slice3A : vector<256x64xf32>
    %reduce_sum3A = arith.constant dense<0.000000e+00> : vector<256xf32>
    %reduce_sum3A_36 = vector.multi_reduction <add>, %mul3A, %reduce_sum3A [1] : vector<256x64xf32> to vector<256xf32>
    %broadcast_in_dim3A = vector.shape_cast %reduce_sum3A_36 : vector<256xf32> to vector<256x1xf32>
    %sqrt3A = math.sqrt %broadcast_in_dim3A : vector<256x1xf32>
    %max3A = arith.constant 9.99999996E-13 : f32
    %max3A_37 = vector.broadcast %max3A : f32 to vector<256x1xf32>
    %max3A_38 = arith.maximumf %sqrt3A, %max3A_37 : vector<256x1xf32>
    %div3A = vector.broadcast %max3A_38 : vector<256x1xf32> to vector<256x64xf32>
    %div3A_39 = arith.divf %slice3A, %div3A : vector<256x64xf32>
    %mul3A_40 = arith.mulf %slice3A_23, %slice3A_23 : vector<256x64xf32>
    %reduce_sum3A_41 = arith.constant dense<0.000000e+00> : vector<256xf32>
    %reduce_sum3A_42 = vector.multi_reduction <add>, %mul3A_40, %reduce_sum3A_41 [1] : vector<256x64xf32> to vector<256xf32>
    %broadcast_in_dim3A_43 = vector.shape_cast %reduce_sum3A_42 : vector<256xf32> to vector<256x1xf32>
    %sqrt3A_44 = math.sqrt %broadcast_in_dim3A_43 : vector<256x1xf32>
    %max3A_45 = arith.constant 9.99999996E-13 : f32
    %max3A_46 = vector.broadcast %max3A_45 : f32 to vector<256x1xf32>
    %max3A_47 = arith.maximumf %sqrt3A_44, %max3A_46 : vector<256x1xf32>
    %div3A_48 = vector.broadcast %max3A_47 : vector<256x1xf32> to vector<256x64xf32>
    %div3A_49 = arith.divf %slice3A_23, %div3A_48 : vector<256x64xf32>
    %mul3A_50 = arith.mulf %slice3A_29, %slice3A_29 : vector<256x64xf32>
    %reduce_sum3A_51 = arith.constant dense<0.000000e+00> : vector<256xf32>
    %reduce_sum3A_52 = vector.multi_reduction <add>, %mul3A_50, %reduce_sum3A_51 [1] : vector<256x64xf32> to vector<256xf32>
    %broadcast_in_dim3A_53 = vector.shape_cast %reduce_sum3A_52 : vector<256xf32> to vector<256x1xf32>
    %sqrt3A_54 = math.sqrt %broadcast_in_dim3A_53 : vector<256x1xf32>
    %max3A_55 = arith.constant 9.99999996E-13 : f32
    %max3A_56 = vector.broadcast %max3A_55 : f32 to vector<256x1xf32>
    %max3A_57 = arith.maximumf %sqrt3A_54, %max3A_56 : vector<256x1xf32>
    %div3A_58 = vector.broadcast %max3A_57 : vector<256x1xf32> to vector<256x64xf32>
    %div3A_59 = arith.divf %slice3A_29, %div3A_58 : vector<256x64xf32>
    %mul3A_60 = arith.mulf %slice3A_35, %slice3A_35 : vector<256x64xf32>
    %reduce_sum3A_61 = arith.constant dense<0.000000e+00> : vector<256xf32>
    %reduce_sum3A_62 = vector.multi_reduction <add>, %mul3A_60, %reduce_sum3A_61 [1] : vector<256x64xf32> to vector<256xf32>
    %broadcast_in_dim3A_63 = vector.shape_cast %reduce_sum3A_62 : vector<256xf32> to vector<256x1xf32>
    %sqrt3A_64 = math.sqrt %broadcast_in_dim3A_63 : vector<256x1xf32>
    %max3A_65 = arith.constant 9.99999996E-13 : f32
    %max3A_66 = vector.broadcast %max3A_65 : f32 to vector<256x1xf32>
    %max3A_67 = arith.maximumf %sqrt3A_64, %max3A_66 : vector<256x1xf32>
    %div3A_68 = vector.broadcast %max3A_67 : vector<256x1xf32> to vector<256x64xf32>
    %div3A_69 = arith.divf %slice3A_35, %div3A_68 : vector<256x64xf32>
    %convert_element_type3A_70 = arith.truncf %div3A_39 : vector<256x64xf32> to vector<256x64xbf16>
    %get3A_71 = arith.constant 0 : index
    %get3A_72 = arith.constant 0 : index
    %get3A_73 = vector.load %arg7[%get3A_71, %get3A_72] : memref<64x4096xbf16, #tpu.memory_space<vmem>>, vector<64x4096xbf16>
    %dot_general3A_74 = arith.constant dense<0.000000e+00> : vector<256x4096xf32>
    %dot_general3A_75 = tpu.matmul %convert_element_type3A_70, %get3A_73, %dot_general3A_74 {dimension_numbers = #tpu.dot_dimension_numbers<[1], [0], [0], [1], [0, 0, 1, 1], [], []>, transpose_lhs_hint = false} : vector<256x64xbf16>, vector<64x4096xbf16>, vector<256x4096xf32> -> vector<256x4096xf32>
    %convert_element_type3A_76 = arith.truncf %div3A_49 : vector<256x64xf32> to vector<256x64xbf16>
    %get3A_77 = arith.constant 0 : index
    %get3A_78 = arith.constant 0 : index
    %get3A_79 = vector.load %arg8[%get3A_77, %get3A_78] : memref<64x4096xbf16, #tpu.memory_space<vmem>>, vector<64x4096xbf16>
    %dot_general3A_80 = arith.constant dense<0.000000e+00> : vector<256x4096xf32>
    %dot_general3A_81 = tpu.matmul %convert_element_type3A_76, %get3A_79, %dot_general3A_80 {dimension_numbers = #tpu.dot_dimension_numbers<[1], [0], [0], [1], [0, 0, 1, 1], [], []>, transpose_lhs_hint = false} : vector<256x64xbf16>, vector<64x4096xbf16>, vector<256x4096xf32> -> vector<256x4096xf32>
    %convert_element_type3A_82 = arith.truncf %div3A_59 : vector<256x64xf32> to vector<256x64xbf16>
    %get3A_83 = arith.constant 0 : index
    %get3A_84 = arith.constant 0 : index
    %get3A_85 = vector.load %arg7[%get3A_83, %get3A_84] : memref<64x4096xbf16, #tpu.memory_space<vmem>>, vector<64x4096xbf16>
    %dot_general3A_86 = arith.constant dense<0.000000e+00> : vector<256x4096xf32>
    %dot_general3A_87 = tpu.matmul %convert_element_type3A_82, %get3A_85, %dot_general3A_86 {dimension_numbers = #tpu.dot_dimension_numbers<[1], [0], [0], [1], [0, 0, 1, 1], [], []>, transpose_lhs_hint = false} : vector<256x64xbf16>, vector<64x4096xbf16>, vector<256x4096xf32> -> vector<256x4096xf32>
    %convert_element_type3A_88 = arith.truncf %div3A_69 : vector<256x64xf32> to vector<256x64xbf16>
    %get3A_89 = arith.constant 0 : index
    %get3A_90 = arith.constant 0 : index
    %get3A_91 = vector.load %arg8[%get3A_89, %get3A_90] : memref<64x4096xbf16, #tpu.memory_space<vmem>>, vector<64x4096xbf16>
    %dot_general3A_92 = arith.constant dense<0.000000e+00> : vector<256x4096xf32>
    %dot_general3A_93 = tpu.matmul %convert_element_type3A_88, %get3A_91, %dot_general3A_92 {dimension_numbers = #tpu.dot_dimension_numbers<[1], [0], [0], [1], [0, 0, 1, 1], [], []>, transpose_lhs_hint = false} : vector<256x64xbf16>, vector<64x4096xbf16>, vector<256x4096xf32> -> vector<256x4096xf32>
    %mul3A_94 = arith.mulf %dot_general3A_12, %dot_general3A_75 : vector<256x4096xf32>
    %mul3A_95 = arith.mulf %mul3A_94, %dot_general3A_81 : vector<256x4096xf32>
    %reduce_sum3A_96 = arith.constant dense<0.000000e+00> : vector<256xf32>
    %reduce_sum3A_97 = vector.multi_reduction <add>, %mul3A_95, %reduce_sum3A_96 [1] : vector<256x4096xf32> to vector<256xf32>
    %broadcast_in_dim3A_98 = vector.shape_cast %reduce_sum3A_97 : vector<256xf32> to vector<256x1xf32>
    %swap3A = arith.constant 0 : index
    %swap3A_99 = arith.constant 0 : index
    %swap3A_100 = arith.constant 0 : index
    %swap3A_101 = vector.load %arg9[%swap3A, %swap3A_99, %swap3A_100] : memref<1x256x1xf32, #tpu.memory_space<vmem>>, vector<1x256x1xf32>
    %swap3A_102 = vector.shape_cast %swap3A_101 : vector<1x256x1xf32> to vector<256x1xf32>
    %swap3A_103 = vector.shape_cast %broadcast_in_dim3A_98 : vector<256x1xf32> to vector<1x256x1xf32>
    tpu.vector_store %arg9[%swap3A, %swap3A_99, %swap3A_100], %swap3A_103 {strides = array<i32>} : memref<1x256x1xf32, #tpu.memory_space<vmem>>, vector<1x256x1xf32>,
    %mul3A_104 = arith.mulf %dot_general3A_12, %dot_general3A_87 : vector<256x4096xf32>
    %mul3A_105 = arith.mulf %mul3A_104, %dot_general3A_93 : vector<256x4096xf32>
    %reduce_sum3A_106 = arith.constant dense<0.000000e+00> : vector<256xf32>
    %reduce_sum3A_107 = vector.multi_reduction <add>, %mul3A_105, %reduce_sum3A_106 [1] : vector<256x4096xf32> to vector<256xf32>
    %broadcast_in_dim3A_108 = vector.shape_cast %reduce_sum3A_107 : vector<256xf32> to vector<256x1xf32>
    %swap3A_109 = arith.constant 0 : index
    %swap3A_110 = arith.constant 0 : index
    %swap3A_111 = arith.constant 0 : index
    %swap3A_112 = vector.load %arg10[%swap3A_109, %swap3A_110, %swap3A_111] : memref<1x256x1xf32, #tpu.memory_space<vmem>>, vector<1x256x1xf32>
    %swap3A_113 = vector.shape_cast %swap3A_112 : vector<1x256x1xf32> to vector<256x1xf32>
    %swap3A_114 = vector.shape_cast %broadcast_in_dim3A_108 : vector<256x1xf32> to vector<1x256x1xf32>
    tpu.vector_store %arg10[%swap3A_109, %swap3A_110, %swap3A_111], %swap3A_114 {strides = array<i32>} : memref<1x256x1xf32, #tpu.memory_space<vmem>>, vector<1x256x1xf32>,
    %get3A_115 = arith.constant 0 : index
    %get3A_116 = memref.load %arg13[%get3A_115] : memref<8xf32, #tpu.memory_space<smem>>
    %mul3A_117 = arith.mulf %slice3A, %slice3A : vector<256x64xf32>
    %reduce_sum3A_118 = vector.shape_cast %mul3A_117 : vector<256x64xf32> to vector<1x256x64xf32>
    %reduce_sum3A_119 = arith.constant dense<0.000000e+00> : vector<1xf32>
    %reduce_sum3A_120 = vector.multi_reduction <add>, %reduce_sum3A_118, %reduce_sum3A_119 [1, 2] : vector<1x256x64xf32> to vector<1xf32>
    %reduce_sum3A_121 = vector.shape_cast %reduce_sum3A_120 : vector<1xf32> to vector<1x1x1xf32>
    %reduce_sum3A_122 = vector.extract %reduce_sum3A_121[0, 0, 0] : f32 from vector<1x1x1xf32>
    %add3A = arith.addf %get3A_116, %reduce_sum3A_122 : f32
    %swap3A_123 = arith.constant 0 : index
    %swap3A_124 = memref.load %arg13[%swap3A_123] : memref<8xf32, #tpu.memory_space<smem>>
    memref.store %add3A, %arg13[%swap3A_123] : memref<8xf32, #tpu.memory_space<smem>>
    %get3A_125 = arith.constant 1 : index
    %get3A_126 = memref.load %arg13[%get3A_125] : memref<8xf32, #tpu.memory_space<smem>>
    %mul3A_127 = arith.mulf %slice3A_23, %slice3A_23 : vector<256x64xf32>
    %reduce_sum3A_128 = vector.shape_cast %mul3A_127 : vector<256x64xf32> to vector<1x256x64xf32>
    %reduce_sum3A_129 = arith.constant dense<0.000000e+00> : vector<1xf32>
    %reduce_sum3A_130 = vector.multi_reduction <add>, %reduce_sum3A_128, %reduce_sum3A_129 [1, 2] : vector<1x256x64xf32> to vector<1xf32>
    %reduce_sum3A_131 = vector.shape_cast %reduce_sum3A_130 : vector<1xf32> to vector<1x1x1xf32>
    %reduce_sum3A_132 = vector.extract %reduce_sum3A_131[0, 0, 0] : f32 from vector<1x1x1xf32>
    %add3A_133 = arith.addf %get3A_126, %reduce_sum3A_132 : f32
    %swap3A_134 = arith.constant 1 : index
    %swap3A_135 = memref.load %arg13[%swap3A_134] : memref<8xf32, #tpu.memory_space<smem>>
    memref.store %add3A_133, %arg13[%swap3A_134] : memref<8xf32, #tpu.memory_space<smem>>
    %get3A_136 = arith.constant 2 : index
    %get3A_137 = memref.load %arg13[%get3A_136] : memref<8xf32, #tpu.memory_space<smem>>
    %mul3A_138 = arith.mulf %slice3A_29, %slice3A_29 : vector<256x64xf32>
    %reduce_sum3A_139 = vector.shape_cast %mul3A_138 : vector<256x64xf32> to vector<1x256x64xf32>
    %reduce_sum3A_140 = arith.constant dense<0.000000e+00> : vector<1xf32>
    %reduce_sum3A_141 = vector.multi_reduction <add>, %reduce_sum3A_139, %reduce_sum3A_140 [1, 2] : vector<1x256x64xf32> to vector<1xf32>
    %reduce_sum3A_142 = vector.shape_cast %reduce_sum3A_141 : vector<1xf32> to vector<1x1x1xf32>
    %reduce_sum3A_143 = vector.extract %reduce_sum3A_142[0, 0, 0] : f32 from vector<1x1x1xf32>
    %add3A_144 = arith.addf %get3A_137, %reduce_sum3A_143 : f32
    %swap3A_145 = arith.constant 2 : index
    %swap3A_146 = memref.load %arg13[%swap3A_145] : memref<8xf32, #tpu.memory_space<smem>>
    memref.store %add3A_144, %arg13[%swap3A_145] : memref<8xf32, #tpu.memory_space<smem>>
    %get3A_147 = arith.constant 3 : index
    %get3A_148 = memref.load %arg13[%get3A_147] : memref<8xf32, #tpu.memory_space<smem>>
    %mul3A_149 = arith.mulf %slice3A_35, %slice3A_35 : vector<256x64xf32>
    %reduce_sum3A_150 = vector.shape_cast %mul3A_149 : vector<256x64xf32> to vector<1x256x64xf32>
    %reduce_sum3A_151 = arith.constant dense<0.000000e+00> : vector<1xf32>
    %reduce_sum3A_152 = vector.multi_reduction <add>, %reduce_sum3A_150, %reduce_sum3A_151 [1, 2] : vector<1x256x64xf32> to vector<1xf32>
    %reduce_sum3A_153 = vector.shape_cast %reduce_sum3A_152 : vector<1xf32> to vector<1x1x1xf32>
    %reduce_sum3A_154 = vector.extract %reduce_sum3A_153[0, 0, 0] : f32 from vector<1x1x1xf32>
    %add3A_155 = arith.addf %get3A_148, %reduce_sum3A_154 : f32
    %swap3A_156 = arith.constant 3 : index
    %swap3A_157 = memref.load %arg13[%swap3A_156] : memref<8xf32, #tpu.memory_space<smem>>
    memref.store %add3A_155, %arg13[%swap3A_156] : memref<8xf32, #tpu.memory_space<smem>>
    %get3A_158 = arith.constant 4 : index
    %get3A_159 = memref.load %arg13[%get3A_158] : memref<8xf32, #tpu.memory_space<smem>>
    %mul3A_160 = arith.mulf %dot_general3A_12, %dot_general3A_12 : vector<256x4096xf32>
    %reduce_sum3A_161 = vector.shape_cast %mul3A_160 : vector<256x4096xf32> to vector<1x256x4096xf32>
    %reduce_sum3A_162 = arith.constant dense<0.000000e+00> : vector<1xf32>
    %reduce_sum3A_163 = vector.multi_reduction <add>, %reduce_sum3A_161, %reduce_sum3A_162 [1, 2] : vector<1x256x4096xf32> to vector<1xf32>
    %reduce_sum3A_164 = vector.shape_cast %reduce_sum3A_163 : vector<1xf32> to vector<1x1x1xf32>
    %reduce_sum3A_165 = vector.extract %reduce_sum3A_164[0, 0, 0] : f32 from vector<1x1x1xf32>
    %add3A_166 = arith.addf %get3A_159, %reduce_sum3A_165 : f32
    %swap3A_167 = arith.constant 4 : index
    %swap3A_168 = memref.load %arg13[%swap3A_167] : memref<8xf32, #tpu.memory_space<smem>>
    memref.store %add3A_166, %arg13[%swap3A_167] : memref<8xf32, #tpu.memory_space<smem>>
    %eq3A_169 = arith.constant 63 : i32
    %eq3A_170 = arith.cmpi eq, %arg0, %eq3A_169 : i32
    %convert_element_type3A_171 = arith.extui %eq3A_170 : i1 to i32
    %cond3A_172 = arith.constant 0 : i32
    %cond3A_173 = arith.cmpi ne, %convert_element_type3A_171, %cond3A_172 : i32
    scf.if %cond3A_173 {
      %get3A_174 = arith.constant 4 : index
      %get3A_175 = memref.load %arg13[%get3A_174] : memref<8xf32, #tpu.memory_space<smem>>
      %mul3A_176 = arith.constant 1.49011612E-8 : f32
      %mul3A_177 = arith.mulf %get3A_175, %mul3A_176 : f32
      %get3A_178 = arith.constant 0 : index
      %get3A_179 = memref.load %arg13[%get3A_178] : memref<8xf32, #tpu.memory_space<smem>>
      %mul3A_180 = arith.constant 9.53674316E-7 : f32
      %mul3A_181 = arith.mulf %get3A_179, %mul3A_180 : f32
      %get3A_182 = arith.constant 1 : index
      %get3A_183 = memref.load %arg13[%get3A_182] : memref<8xf32, #tpu.memory_space<smem>>
      %mul3A_184 = arith.constant 9.53674316E-7 : f32
      %mul3A_185 = arith.mulf %get3A_183, %mul3A_184 : f32
      %add3A_186 = arith.addf %mul3A_181, %mul3A_185 : f32
      %add3A_187 = arith.addf %add3A_186, %mul3A_177 : f32
      %div3A_188 = arith.constant 3.000000e+00 : f32
      %div3A_189 = arith.divf %add3A_187, %div3A_188 : f32
      %broadcast_in_dim3A_190 = vector.broadcast %div3A_189 : f32 to vector<1x128xf32>
      %swap3A_191 = arith.constant 0 : index
      %swap3A_192 = arith.constant 0 : index
      %swap3A_193 = vector.load %arg11[%swap3A_191, %swap3A_192] : memref<1x128xf32, #tpu.memory_space<vmem>>, vector<1x128xf32>
      tpu.vector_store %arg11[%swap3A_191, %swap3A_192], %broadcast_in_dim3A_190 {strides = array<i32>} : memref<1x128xf32, #tpu.memory_space<vmem>>, vector<1x128xf32>,
      %get3A_194 = arith.constant 2 : index
      %get3A_195 = memref.load %arg13[%get3A_194] : memref<8xf32, #tpu.memory_space<smem>>
      %mul3A_196 = arith.constant 9.53674316E-7 : f32
      %mul3A_197 = arith.mulf %get3A_195, %mul3A_196 : f32
      %get3A_198 = arith.constant 3 : index
      %get3A_199 = memref.load %arg13[%get3A_198] : memref<8xf32, #tpu.memory_space<smem>>
      %mul3A_200 = arith.constant 9.53674316E-7 : f32
      %mul3A_201 = arith.mulf %get3A_199, %mul3A_200 : f32
      %add3A_202 = arith.addf %mul3A_197, %mul3A_201 : f32
      %add3A_203 = arith.addf %add3A_202, %mul3A_177 : f32
      %div3A_204 = arith.constant 3.000000e+00 : f32
      %div3A_205 = arith.divf %add3A_203, %div3A_204 : f32
      %broadcast_in_dim3A_206 = vector.broadcast %div3A_205 : f32 to vector<1x128xf32>
      %swap3A_207 = arith.constant 0 : index
      %swap3A_208 = arith.constant 0 : index
      %swap3A_209 = vector.load %arg12[%swap3A_207, %swap3A_208] : memref<1x128xf32, #tpu.memory_space<vmem>>, vector<1x128xf32>
      tpu.vector_store %arg12[%swap3A_207, %swap3A_208], %broadcast_in_dim3A_206 {strides = array<i32>} : memref<1x128xf32, #tpu.memory_space<vmem>>, vector<1x128xf32>,
    } else {
    }
    return
  }
  func.func @transform_0(%arg0: i32) -> (i32, i32) {
    %c0_i32 = arith.constant 0 : i32
    %c0_i32_0 = arith.constant 0 : i32
    return %arg0, %c0_i32 : i32, i32
  }
  func.func @transform_1(%arg0: i32) -> (i32, i32, i32) {
    %c0_i32 = arith.constant 0 : i32
    %c0_i32_0 = arith.constant 0 : i32
    %c0_i32_1 = arith.constant 0 : i32
    return %c0_i32, %arg0, %c0_i32_0 : i32, i32, i32
  }
  func.func @transform_2(%arg0: i32) -> (i32, i32, i32) {
    %c1_i32 = arith.constant 1 : i32
    %c0_i32 = arith.constant 0 : i32
    %c0_i32_0 = arith.constant 0 : i32
    return %c1_i32, %arg0, %c0_i32 : i32, i32, i32
  }
  func.func @transform_3(%arg0: i32) -> (i32, i32, i32) {
    %c2_i32 = arith.constant 2 : i32
    %c0_i32 = arith.constant 0 : i32
    %c0_i32_0 = arith.constant 0 : i32
    return %c2_i32, %arg0, %c0_i32 : i32, i32, i32
  }
  func.func @transform_4(%arg0: i32) -> (i32, i32, i32) {
    %c3_i32 = arith.constant 3 : i32
    %c0_i32 = arith.constant 0 : i32
    %c0_i32_0 = arith.constant 0 : i32
    return %c3_i32, %arg0, %c0_i32 : i32, i32, i32
  }
  func.func @transform_5(%arg0: i32) -> (i32, i32) {
    %c0_i32 = arith.constant 0 : i32
    %c0_i32_0 = arith.constant 0 : i32
    %c0_i32_1 = arith.constant 0 : i32
    return %c0_i32, %c0_i32_0 : i32, i32
  }
  func.func @transform_6(%arg0: i32) -> (i32, i32) {
    %c0_i32 = arith.constant 0 : i32
    %c0_i32_0 = arith.constant 0 : i32
    %c0_i32_1 = arith.constant 0 : i32
    return %c0_i32, %c0_i32_0 : i32, i32
  }
  func.func @transform_7(%arg0: i32) -> (i32, i32) {
    %c0_i32 = arith.constant 0 : i32
    %c0_i32_0 = arith.constant 0 : i32
    %c0_i32_1 = arith.constant 0 : i32
    return %c0_i32, %c0_i32_0 : i32, i32
  }
  func.func @transform_8(%arg0: i32) -> (i32, i32, i32) {
    %c0_i32 = arith.constant 0 : i32
    %c0_i32_0 = arith.constant 0 : i32
    %c0_i32_1 = arith.constant 0 : i32
    return %arg0, %c0_i32, %c0_i32_0 : i32, i32, i32
  }
  func.func @transform_9(%arg0: i32) -> (i32, i32, i32) {
    %c0_i32 = arith.constant 0 : i32
    %c0_i32_0 = arith.constant 0 : i32
    %c0_i32_1 = arith.constant 0 : i32
    return %arg0, %c0_i32, %c0_i32_0 : i32, i32, i32
  }
  func.func @transform_10(%arg0: i32) -> (i32, i32) {
    %c0_i32 = arith.constant 0 : i32
    %c0_i32_0 = arith.constant 0 : i32
    %c0_i32_1 = arith.constant 0 : i32
    return %c0_i32, %c0_i32_0 : i32, i32
  }
  func.func @transform_11(%arg0: i32) -> (i32, i32) {
    %c0_i32 = arith.constant 0 : i32
    %c0_i32_0 = arith.constant 0 : i32
    %c0_i32_1 = arith.constant 0 : i32
    return %c0_i32, %c0_i32_0 : i32, i32
  }
}

</mosaic_0001>

<sc_bundles>
// kernel: kernel.4.cloned.1.call-start
scs
__scs_entry_jumppad:
0x0: {  	(pc) =	sbr.rel $0x88, $3  }
0x1: {  	(tag) =	ssettag $0x0;
	lr =	simm.s32 $0x1  }
0x2: {  	[smem:$0x3F9A] =	sst lr;
	_ =	strace $0xD0000000  }
0x3: {  	_ = 	snop  }
0x4: {  	_ = 	snop  }
0x5: {  	_ = 	snop  }
0x6: {  	_ = 	snop  }
0x7: {  	_ = 	snop  }
__scs_overlays_trampoline_lowered:
0x8: {  	[smem:$0x3FA9] =	sst s0  }
0x9: {  	[smem:$0x3FAA] =	sst s1  }
0xa: {  	[smem:$0x3FAB] =	sst s2  }
0xb: {  	[smem:$0x3FAC] =	sst s3  }
0xc: {  	[smem:$0x3FAD] =	sst s4  }
0xd: {  	[smem:$0x3FAE] =	sst s5  }
0xe: {  	[smem:$0x3FAF] =	sst s6  }
0xf: {  	[smem:$0x3FB0] =	sst s7  }
0x10: {  	[smem:$0x3FB1] =	sst s8  }
0x11: {  	[smem:$0x3FB2] =	sst s9;
	s0 =	simm.s32 @!p0 $0x0  }
0x12: {  	s1 =	sld [smem:$0x3F98];
	s0 =	simm.s32 @p0 $0x1  }
0x13: {  	[smem:$0x3FB3] =	sst s0;
	s0 =	simm.s32 @!p1 $0x0  }
0x14: {  	s2 =	sld [smem:$0x3F97];
	s0 =	simm.s32 @p1 $0x1  }
0x15: {  	[smem:$0x3FB4] =	sst s0;
	s0 =	simm.s32 @!p2 $0x0  }
0x16: {  	s3 =	sld [smem:$0x3FDB];
	s0 =	simm.s32 @p2 $0x1  }
0x17: {  	s4 =	simm.s32 $0x1BF5;
	[smem:$0x3FB6] =	sst s0  }
0x18: {  	s0 =	sld [smem:$0x3F99];
	_ =	swait.ge [sflag:s4], $0x0  }
0x19: {  	s7 =	sld [smem:$0x3F9A]  }
0x1a: {  	s8 =	sadd.s32 $0xFFFFE003, lr  }
0x1b: {  	s9 =	sadd.s32 $0xFFFFFEF7, lr;
	s5 =	simm.s32 $0xFFFFFFFF;
	p2 =	slt.u32 s8, $0xFFFFF086  }
0x1c: {  	p1 =	slt.u32 s9, $0xF7A;
	s5 =	simm.s32 @!p2 $0x0  }
0x1d: {  	s5 =	simm.s32 @p1 $0x1;
	p0 =	seq.s32 s7, s2  }
0x1e: {  	s7 =	smul.u32 @!p0 $0xF7A, s2;
	p2 =	seq.s32 @!p0 s5, $0x0  }
0x1f: {  	s9 =	smul.u32 $0xF7A, s1;
	s8 =	simm.s32 @!p0 $0x1BF5;
	p2 =	por !p2, p0  }
0x20: {  	[sflag:s8] =	ssyncset.s32 @!p0 $0xFFFFF086;
	s6 =	sadd.s32 @!p0 s3, s7;
	s7 =	simm.s32 @!p0 $0x108  }
0x21: {  	s3 =	sadd.s32 s3, s9;
	s6 =	sadd.s32 @!p0 $0x88, s6;
	s7 =	simm.s32 @p2 $0x1082  }
0x22: {  	[simem:s7], [sflag:s8] =	dma.local @!p0 [hbm:s6], $0xF7A  }
0x23: {  	s9 =	sor.u32 $0xD0000000, s2;
	s6 =	simm.s32 $0x108;
	_ =	swait.ge @!p0 [sflag:s8], $0x0  }
0x24: {  	s3 =	sadd.s32 $0x88, s3;
	s6 =	simm.s32 @!p1 $0x1082;
	[sflag:s4] =	ssyncset.s32 $0xFFFFF086  }
0x25: {  	[simem:s6], [sflag:s4] =	dma.local [hbm:s3], $0xF7A  }
0x26: {  	[smem:$0x3F9A] =	sst s1;
	(tag) =	ssettag s2;
	_ =	strace s9  }
0x27: {  	s1 =	sld [smem:$0x3FAA]  }
0x28: {  	s2 =	sld [smem:$0x3FAB]  }
0x29: {  	s4 =	sld [smem:$0x3FAD]  }
0x2a: {  	p0 =	seq.s32 s5, $0x0;
	s5 =	sld [smem:$0x3FAE]  }
0x2b: {  	s6 =	sld [smem:$0x3FAF]  }
0x2c: {  	s7 =	sld [smem:$0x3FB0]  }
0x2d: {  	s3 =	simm.s32 $0x108;
	s8 =	sld [smem:$0x3FB1]  }
0x2e: {  	s3 =	simm.s32 @!p0 $0x1082;
	s9 =	sld [smem:$0x3FB2]  }
0x2f: {  	lr =	sadd.s32 s0, s3;
	s0 =	sld [smem:$0x3FA9]  }
0x30: {  	s3 =	sld [smem:$0x3FAC]  }
0x31: {  	[smem:$0x3FB5] =	sst s10  }
0x32: {  	s10 =	sld [smem:$0x3FB3];
	_ =	sdelay $0x3  }
0x33: {  	p0 =	seq.s32 s10, $0x1;
	s10 =	sld [smem:$0x3FB5];
	_ =	sdelay $0x3  }
0x34: {  	[smem:$0x3FB5] =	sst s10  }
0x35: {  	s10 =	sld [smem:$0x3FB4];
	_ =	sdelay $0x3  }
0x36: {  	p1 =	seq.s32 s10, $0x1;
	s10 =	sld [smem:$0x3FB5];
	_ =	sdelay $0x3  }
0x37: {  	[smem:$0x3FB5] =	sst s10  }
0x38: {  	s10 =	sld [smem:$0x3FB6]  }
0x39: {  	_ = 	snop;
	(pc) =	sbr.ind lr, $3  }
0x3a: {  	_ = 	snop  }
0x3b: {  	_ = 	snop  }
0x3c: {  	p2 =	seq.s32 s10, $0x1;
	s10 =	sld [smem:$0x3FB5]  }
0x3d: {  	_ =	shalt  }
0x3e: {  	_ =	shalt  }
0x3f: {  	_ =	shalt  }
0x40: {  	_ =	shalt  }
0x41: {  	_ =	shalt  }
0x42: {  	_ =	shalt  }
0x43: {  	_ =	shalt  }
0x44: {  	_ =	shalt  }
0x45: {  	_ =	shalt  }
0x46: {  	_ =	shalt  }
0x47: {  	_ =	shalt  }
0x48: {  	_ =	shalt  }
0x49: {  	_ =	shalt  }
0x4a: {  	_ =	shalt  }
0x4b: {  	_ =	shalt  }
0x4c: {  	_ =	shalt  }
0x4d: {  	_ =	shalt  }
0x4e: {  	_ =	shalt  }
0x4f: {  	_ =	shalt  }
0x50: {  	_ =	shalt  }
0x51: {  	_ =	shalt  }
0x52: {  	_ =	shalt  }
0x53: {  	_ =	shalt  }
0x54: {  	_ =	shalt  }
0x55: {  	_ =	shalt  }
0x56: {  	_ =	shalt  }
0x57: {  	_ =	shalt  }
0x58: {  	_ =	shalt  }
0x59: {  	_ =	shalt  }
0x5a: {  	_ =	shalt  }
0x5b: {  	_ =	shalt  }
0x5c: {  	_ =	shalt  }
0x5d: {  	_ =	shalt  }
0x5e: {  	_ =	shalt  }
0x5f: {  	_ =	shalt  }
0x60: {  	_ =	shalt  }
0x61: {  	_ =	shalt  }
0x62: {  	_ =	shalt  }
0x63: {  	_ =	shalt  }
0x64: {  	_ =	shalt  }
0x65: {  	_ =	shalt  }
0x66: {  	_ =	shalt  }
0x67: {  	_ =	shalt  }
0x68: {  	_ =	shalt  }
0x69: {  	_ =	shalt  }
0x6a: {  	_ =	shalt  }
0x6b: {  	_ =	shalt  }
0x6c: {  	_ =	shalt  }
0x6d: {  	_ =	shalt  }
0x6e: {  	_ =	shalt  }
0x6f: {  	_ =	shalt  }
0x70: {  	_ =	shalt  }
0x71: {  	_ =	shalt  }
0x72: {  	_ =	shalt  }
0x73: {  	_ =	shalt  }
0x74: {  	_ =	shalt  }
0x75: {  	_ =	shalt  }
0x76: {  	_ =	shalt  }
0x77: {  	_ =	shalt  }
0x78: {  	_ =	shalt  }
0x79: {  	_ =	shalt  }
0x7a: {  	_ =	shalt  }
0x7b: {  	_ =	shalt  }
0x7c: {  	_ =	shalt  }
0x7d: {  	_ =	shalt  }
0x7e: {  	_ =	shalt  }
0x7f: {  	_ =	shalt  }
0x80: {  	_ =	shalt  }
0x81: {  	_ =	shalt  }
0x82: {  	_ =	shalt  }
0x83: {  	_ =	shalt  }
0x84: {  	_ =	shalt  }
0x85: {  	_ =	shalt  }
0x86: {  	_ =	shalt  }
0x87: {  	_ =	shalt  }
.Lfunc_end0:
.L_simem_size_0:
called_computation_lowered:
.L_overlay_start_0:
0x88: {  	s2 =	sld [smem:$0x3FD9]  }
0x89: {  	s3 =	sld [smem:$0x3FFE];
	_ =	sdelay $0x1  }
0x8a: {  	s1 =	srdreg.scid  }
0x8b: {  	s0 =	sand.u32 $0x1, s1  }
0x8c: {  	s16 =	sshll.u32 s0, $0xA;
	s2 =	sadd.s32 s3, s2  }
0x8d: {  	s2 =	sadd.s32 s2, s16  }
0x8e: {  	[smem:$0x3FC1] =	sst s2  }
0x8f: {  	_ = 	snop  }
0x90: {  	(tm) =	ssettm $0x1  }
0x91: {  	s17 =	sld [smem:$0x3FFB];
	_ =	sdelay $0x3  }
0x92: {  	_ =	strace s17  }
0x93: {  	s2 =	sld [smem:$0x3FFC];
	_ =	sdelay $0x3  }
0x94: {  	_ =	strace s2  }
0x95: {  	s2 =	sld [smem:$0x3FFD];
	_ =	sdelay $0x3  }
0x96: {  	_ =	strace s2  }
0x97: {  	_ =	strace $0x8FFFFFFF  }
0x98: {  	s18 =	sld [smem:$0x3FDB];
	_ =	sdelay $0x1  }
0x99: {  	s19 =	simm.s32 $_scs_section_size  }
0x9a: {  	s4 =	simm.s32 $_size__tile_overlayer_lowered;
	s5 =	simm.s32 $_tile_overlayer_lowered  }
0x9b: {  	s22 =	simm.s32 $0x1BFF;
	s21 =	sshll.u32 s5, $0x1;
	s2 =	sadd.s32 s19, s18  }
0x9c: {  	s6 =	simm.s32 $0x0;
	s20 =	sshll.u32 s4, $0x1;
	s4 =	sadd.s32 s21, s2  }
0x9d: {  	[timem:s6], [sflag:s22] =	dma.local [hbm:s4], s20  }
0x9e: {  	_ =	swait.ge [sflag:s22], s20  }
0x9f: {  	s3 =	ssub.s32 $0x0, s20;
	[sflag:s22] =	ssyncset.done $0x0  }
0xa0: {  	[sflag:s22] =	ssyncadd.s32 s3;
	_ =	sdelay $0x1  }
0xa1: {  	s23 =	simm.s32 $0x1B8B  }
0xa2: {  	_ =	swait.ge [sflag:s23], $0x1  }
0xa3: {  	[sflag:s23] =	ssyncset.done $0x0  }
0xa4: {  	s25 =	simm.s32 $0x1B8E;
	s24 =	sld [smem:$0x3FFE];
	[sflag:s23] =	ssyncadd.s32 $0xFFFFFFFF  }
0xa5: {  	s26 =	simm.s32 $execute0_lowered;
	[smem:$0x3FD2] =	sst s25  }
0xa6: {  	s4 =	sshll.u32 s26, $0x1;
	_ =	strace $0x80000046;
	[dreg:$0x1] =	wrdreg $0xFFFFFFFF  }
0xa7: {  	s28 =	simm.s32 $_size_execute0_lowered;
	s2 =	sadd.s32 s2, s4;
	[dreg:$0x0] =	wrdreg $0x0  }
0xa8: {  	s4 =	sshll.u32 s28, $0x1;
	[dreg:$0x2] =	wrdreg s2  }
0xa9: {  	[dreg:$0x3] =	wrdreg s4  }
0xaa: {  	[dreg:$0x4] =	wrdreg $0xC0  }
0xab: {  	_ =	task [dreg:s6], $0x5FFFF  }
0xac: {  	[dreg:$0x1] =	wrdreg $0xFFFFFFFF  }
0xad: {  	[dreg:$0x0] =	wrdreg $0x60  }
0xae: {  	[dreg:$0x2] =	wrdreg s24  }
0xaf: {  	[dreg:$0x3] =	wrdreg $0x9  }
0xb0: {  	_ =	task.clear_ibuf [dreg:s6], $0x4FFFF;
	_ =	strace $0x90000046  }
0xb1: {  	s29 =	simm.s32 $0x9;
	_ =	strace $0x80000048  }
0xb2: {  	_ =	swait.ge [sflag:s29], $0x1  }
0xb3: {  	[sflag:s29] =	ssyncadd.s32 $0xFFFFFFFF  }
0xb4: {  	_ =	strace $0x90000048  }
0xb5: {  	_ =	sfence  }
0xb6: {  	s30 =	sld [smem:$0x0];
	_ =	sdelay $0x2  }
0xb7: {  	s31 =	sshll.u32 s1, $0xD;
	s1 =	sshrl.u32 s1, $0x2  }
0xb8: {  	s3 =	sand.u32 $0x4000, s31;
	s1 =	sadd.s32 s1, s30  }
0xb9: {  	s0 =	sor.u32 s3, s0;
	s1 =	sshll.u32 s1, $0x11  }
0xba: {  	s0 =	sor.u32 s1, s0  }
0xbb: {  	s0 =	sadd.s32 $0x8F2B, s0  }
0xbc: {  	[sflag:s0] =	ssyncadd.remote.s32 $0x1  }
0xbd: {  	_ =	sfence.sel $0xFFFF  }
0xbe: {  	[dreg:$0x0] =	wrdreg $0xFFFFFFFF;
	(pc) =	sbr.abs _section_cstart, $3  }
0xbf: {  	[dreg:$0x1] =	wrdreg $0xFFFFFFFF  }
0xc0: {  	_ =	task.clear_ibuf [dreg:s6], $0x2FFFF;
	_ =	strace $0x9FFFFFFF  }
0xc1: {  	(tm) =	ssettm $0x7FFFFFFF  }
tec
execute0_lowered:
.L_overlay_start_1:
0x0: {  	(tag) =	ssettag $0x1  }
0x1: {  	s1 =	srdreg.scid  }
0x2: {  	s0 =	stileid.u32;
	s1 =	sand.u32 $0x1, s1  }
0x3: {  	s2 =	sshll.u32 s0, $0xC;
	s3 =	sshll.u32 s1, $0xB  }
0x4: {  	s3 =	sor.u32 s3, s2  }
0x5: {  	s4 =	rddreg [dreg:$0x0];
	s5 =	sshrl.u32 s3, $0x3  }
0x6: {  	s2 =	simm.s32 $0x0;
	s3 =	sshll.u32 s3, $0x4;
	s5 =	sadd.s32 s5, s4  }
0x7: {  	[smem:$0x7FF] =	sst s2;
	s31 =	sadd.s32 s3, s4;
	s16 =	sadd.s32 $0x800, s5  }
0x8: {  	_ =	strace $0x80000047;
	s17 =	sadd.s32 $0x2800, s31;
	[dreg:$0x2] =	wrdreg s16  }
0x9: {  	s18 =	sadd.s32 $0x3000, s31;
	[dreg:$0x3] =	wrdreg s17  }
0xa: {  	s19 =	sadd.s32 $0x3800, s31;
	[dreg:$0x4] =	wrdreg s18  }
0xb: {  	s20 =	sadd.s32 $0x4000, s31;
	[dreg:$0x5] =	wrdreg s19  }
0xc: {  	s21 =	sadd.s32 $0x4800, s31;
	[dreg:$0x6] =	wrdreg s20  }
0xd: {  	s22 =	sadd.s32 $0x5000, s31;
	[dreg:$0x7] =	wrdreg s21  }
0xe: {  	s23 =	sadd.s32 $0x5800, s31;
	[dreg:$0x8] =	wrdreg s22  }
0xf: {  	s24 =	sadd.s32 $0x6000, s31;
	[dreg:$0x9] =	wrdreg s23  }
0x10: {  	s26 =	sadd.s32 $0x6800, s31;
	[dreg:$0xa] =	wrdreg s24  }
0x11: {  	[dreg:$0xb] =	wrdreg s26  }
0x12: {  	s3 =	simm.s32 $0x3;
	s25 =	rddreg [dreg:$0x2]  }
0x13: {  	[tilespmem:s2], [sflag:$0x3] =	stream.linear.gather [hbm4b:s25+s2], $0x800, $0x38;
	[tilespmem:$0x8800] =	vst v63  }
0x14: {  	_ =	swait.ge [sflag:s3], $0x800  }
0x15: {  	s6 =	simm.s32 $0x800;
	[sflag:s3] =	ssyncset.done $0x0  }
0x16: {  	s4 =	sadd.s32 $0xF42C00, s4;
	s5 =	simm.s32 $0x80;
	[sflag:s3] =	ssyncadd.s32 $0xFFFFF800  }
0x17: {  	[tilespmem:s6], [sflag:$0x1] =	stream.indirect.gather [hbm4b:s4+s5], $0x80, s2, s5, $0xb8;
	[tilespmem:$0x8800] =	vst v63  }
0x18: {  	s7 =	simm.s32 $0x4800;
	s8 =	simm.s32 $0x1  }
0x19: {  	[tilespmem:s7], [sflag:$0x2] =	stream.indirect.gather [hbm4b:s4+s5], $0x80, s5, s5, $0xb8;
	[tilespmem:$0x8800] =	vst v63  }
0x1a: {  	_ =	swait.ge [sflag:s8], $0x4000  }
0x1b: {  	[sflag:s8] =	ssyncset.done $0x0  }
0x1c: {  	s9 =	rddreg [dreg:$0x3];
	[sflag:s8] =	ssyncadd.s32 $0xFFFFC000  }
0x1d: {  	[hbm4b:s9+s2] =	stream.linear.scatter [tilespmem:s6], [sflag:$0x3], $0x4000, $0x38;
	[tilespmem:$0x8800] =	vst v63  }
0x1e: {  	_ =	swait.ge [sflag:s3], $0x4000  }
0x1f: {  	[sflag:s3] =	ssyncset.done $0x0  }
0x20: {  	s10 =	simm.s32 $0x2;
	s9 =	simm.s32 $0x100;
	[sflag:s3] =	ssyncadd.s32 $0xFFFFC000  }
0x21: {  	[tilespmem:s6], [sflag:$0x1] =	stream.indirect.gather [hbm4b:s4+s5], $0x80, s9, s5, $0xb8;
	[tilespmem:$0x8800] =	vst v63  }
0x22: {  	_ =	swait.ge [sflag:s10], $0x4000  }
0x23: {  	[sflag:s10] =	ssyncset.done $0x0  }
0x24: {  	s11 =	rddreg [dreg:$0x4];
	[sflag:s10] =	ssyncadd.s32 $0xFFFFC000  }
0x25: {  	[hbm4b:s11+s2] =	stream.linear.scatter [tilespmem:s7], [sflag:$0x3], $0x4000, $0x38;
	[tilespmem:$0x8800] =	vst v63  }
0x26: {  	_ =	swait.ge [sflag:s3], $0x4000  }
0x27: {  	[sflag:s3] =	ssyncset.done $0x0  }
0x28: {  	s11 =	simm.s32 $0x180;
	[sflag:s3] =	ssyncadd.s32 $0xFFFFC000  }
0x29: {  	[tilespmem:s7], [sflag:$0x2] =	stream.indirect.gather [hbm4b:s4+s5], $0x80, s11, s5, $0xb8;
	[tilespmem:$0x8800] =	vst v63  }
0x2a: {  	_ =	swait.ge [sflag:s8], $0x4000  }
0x2b: {  	[sflag:s8] =	ssyncset.done $0x0  }
0x2c: {  	s12 =	rddreg [dreg:$0x5];
	[sflag:s8] =	ssyncadd.s32 $0xFFFFC000  }
0x2d: {  	[hbm4b:s12+s2] =	stream.linear.scatter [tilespmem:s6], [sflag:$0x3], $0x4000, $0x38;
	[tilespmem:$0x8800] =	vst v63  }
0x2e: {  	_ =	swait.ge [sflag:s3], $0x4000  }
0x2f: {  	[sflag:s3] =	ssyncset.done $0x0  }
0x30: {  	s12 =	simm.s32 $0x200;
	[sflag:s3] =	ssyncadd.s32 $0xFFFFC000  }
0x31: {  	[tilespmem:s6], [sflag:$0x1] =	stream.indirect.gather [hbm4b:s4+s5], $0x80, s12, s5, $0xb8;
	[tilespmem:$0x8800] =	vst v63  }
0x32: {  	_ =	swait.ge [sflag:s10], $0x4000  }
0x33: {  	[sflag:s10] =	ssyncset.done $0x0  }
0x34: {  	s13 =	rddreg [dreg:$0x6];
	[sflag:s10] =	ssyncadd.s32 $0xFFFFC000  }
0x35: {  	[hbm4b:s13+s2] =	stream.linear.scatter [tilespmem:s7], [sflag:$0x3], $0x4000, $0x38;
	[tilespmem:$0x8800] =	vst v63  }
0x36: {  	_ =	swait.ge [sflag:s3], $0x4000  }
0x37: {  	[sflag:s3] =	ssyncset.done $0x0  }
0x38: {  	s13 =	simm.s32 $0x280;
	[sflag:s3] =	ssyncadd.s32 $0xFFFFC000  }
0x39: {  	[tilespmem:s7], [sflag:$0x2] =	stream.indirect.gather [hbm4b:s4+s5], $0x80, s13, s5, $0xb8;
	[tilespmem:$0x8800] =	vst v63  }
0x3a: {  	_ =	swait.ge [sflag:s8], $0x4000  }
0x3b: {  	[sflag:s8] =	ssyncset.done $0x0  }
0x3c: {  	s14 =	rddreg [dreg:$0x7];
	[sflag:s8] =	ssyncadd.s32 $0xFFFFC000  }
0x3d: {  	[hbm4b:s14+s2] =	stream.linear.scatter [tilespmem:s6], [sflag:$0x3], $0x4000, $0x38;
	[tilespmem:$0x8800] =	vst v63  }
0x3e: {  	_ =	swait.ge [sflag:s3], $0x4000  }
0x3f: {  	[sflag:s3] =	ssyncset.done $0x0  }
0x40: {  	s14 =	simm.s32 $0x300;
	[sflag:s3] =	ssyncadd.s32 $0xFFFFC000  }
0x41: {  	[tilespmem:s6], [sflag:$0x1] =	stream.indirect.gather [hbm4b:s4+s5], $0x80, s14, s5, $0xb8;
	[tilespmem:$0x8800] =	vst v63  }
0x42: {  	_ =	swait.ge [sflag:s10], $0x4000  }
0x43: {  	[sflag:s10] =	ssyncset.done $0x0  }
0x44: {  	s15 =	rddreg [dreg:$0x8];
	[sflag:s10] =	ssyncadd.s32 $0xFFFFC000  }
0x45: {  	[hbm4b:s15+s2] =	stream.linear.scatter [tilespmem:s7], [sflag:$0x3], $0x4000, $0x38;
	[tilespmem:$0x8800] =	vst v63  }
0x46: {  	_ =	swait.ge [sflag:s3], $0x4000  }
0x47: {  	[sflag:s3] =	ssyncset.done $0x0  }
0x48: {  	s15 =	simm.s32 $0x380;
	[sflag:s3] =	ssyncadd.s32 $0xFFFFC000  }
0x49: {  	[tilespmem:s7], [sflag:$0x2] =	stream.indirect.gather [hbm4b:s4+s5], $0x80, s15, s5, $0xb8;
	[tilespmem:$0x8800] =	vst v63  }
0x4a: {  	_ =	swait.ge [sflag:s8], $0x4000  }
0x4b: {  	[sflag:s8] =	ssyncset.done $0x0  }
0x4c: {  	s16 =	rddreg [dreg:$0x9];
	[sflag:s8] =	ssyncadd.s32 $0xFFFFC000  }
0x4d: {  	[hbm4b:s16+s2] =	stream.linear.scatter [tilespmem:s6], [sflag:$0x3], $0x4000, $0x38;
	[tilespmem:$0x8800] =	vst v63  }
0x4e: {  	_ =	swait.ge [sflag:s3], $0x4000  }
0x4f: {  	[sflag:s3] =	ssyncset.done $0x0  }
0x50: {  	s16 =	simm.s32 $0x400;
	[sflag:s3] =	ssyncadd.s32 $0xFFFFC000  }
0x51: {  	[tilespmem:s6], [sflag:$0x1] =	stream.indirect.gather [hbm4b:s4+s5], $0x80, s16, s5, $0xb8;
	[tilespmem:$0x8800] =	vst v63  }
0x52: {  	_ =	swait.ge [sflag:s10], $0x4000  }
0x53: {  	[sflag:s10] =	ssyncset.done $0x0  }
0x54: {  	s17 =	rddreg [dreg:$0xa];
	[sflag:s10] =	ssyncadd.s32 $0xFFFFC000  }
0x55: {  	[hbm4b:s17+s2] =	stream.linear.scatter [tilespmem:s7], [sflag:$0x3], $0x4000, $0x38;
	[tilespmem:$0x8800] =	vst v63  }
0x56: {  	_ =	swait.ge [sflag:s3], $0x4000  }
0x57: {  	[sflag:s3] =	ssyncset.done $0x0  }
0x58: {  	s17 =	simm.s32 $0x480;
	[sflag:s3] =	ssyncadd.s32 $0xFFFFC000  }
0x59: {  	[tilespmem:s7], [sflag:$0x2] =	stream.indirect.gather [hbm4b:s4+s5], $0x80, s17, s5, $0xb8;
	[tilespmem:$0x8800] =	vst v63  }
0x5a: {  	_ =	swait.ge [sflag:s8], $0x4000  }
0x5b: {  	[sflag:s8] =	ssyncset.done $0x0  }
0x5c: {  	s18 =	rddreg [dreg:$0xb];
	[sflag:s8] =	ssyncadd.s32 $0xFFFFC000  }
0x5d: {  	[hbm4b:s18+s2] =	stream.linear.scatter [tilespmem:s6], [sflag:$0x3], $0x4000, $0x38;
	[tilespmem:$0x8800] =	vst v63  }
0x5e: {  	_ =	swait.ge [sflag:s3], $0x4000  }
0x5f: {  	[sflag:s3] =	ssyncset.done $0x0  }
0x60: {  	s18 =	simm.s32 $0x500;
	[sflag:s3] =	ssyncadd.s32 $0xFFFFC000  }
0x61: {  	[tilespmem:s6], [sflag:$0x1] =	stream.indirect.gather [hbm4b:s4+s5], $0x80, s18, s5, $0xb8;
	[tilespmem:$0x8800] =	vst v63  }
0x62: {  	_ =	swait.ge [sflag:s10], $0x4000  }
0x63: {  	[sflag:s10] =	ssyncset.done $0x0  }
0x64: {  	s19 =	sadd.s32 $0x7000, s31;
	[sflag:s10] =	ssyncadd.s32 $0xFFFFC000  }
0x65: {  	[hbm4b:s19+s2] =	stream.linear.scatter [tilespmem:s7], [sflag:$0x3], $0x4000, $0x38;
	[tilespmem:$0x8800] =	vst v63  }
0x66: {  	_ =	swait.ge [sflag:s3], $0x4000  }
0x67: {  	[sflag:s3] =	ssyncset.done $0x0  }
0x68: {  	s20 =	simm.s32 $0x580;
	[sflag:s3] =	ssyncadd.s32 $0xFFFFC000  }
0x69: {  	[tilespmem:s7], [sflag:$0x2] =	stream.indirect.gather [hbm4b:s4+s5], $0x80, s20, s5, $0xb8;
	[tilespmem:$0x8800] =	vst v63  }
0x6a: {  	_ =	swait.ge [sflag:s8], $0x4000  }
0x6b: {  	[sflag:s8] =	ssyncset.done $0x0  }
0x6c: {  	s21 =	sadd.s32 $0x7800, s31;
	[sflag:s8] =	ssyncadd.s32 $0xFFFFC000  }
0x6d: {  	[hbm4b:s21+s2] =	stream.linear.scatter [tilespmem:s6], [sflag:$0x3], $0x4000, $0x38;
	[tilespmem:$0x8800] =	vst v63  }
0x6e: {  	_ =	swait.ge [sflag:s3], $0x4000  }
0x6f: {  	[sflag:s3] =	ssyncset.done $0x0  }
0x70: {  	s22 =	simm.s32 $0x600;
	[sflag:s3] =	ssyncadd.s32 $0xFFFFC000  }
0x71: {  	[tilespmem:s6], [sflag:$0x1] =	stream.indirect.gather [hbm4b:s4+s5], $0x80, s22, s5, $0xb8;
	[tilespmem:$0x8800] =	vst v63  }
0x72: {  	_ =	swait.ge [sflag:s10], $0x4000  }
0x73: {  	[sflag:s10] =	ssyncset.done $0x0  }
0x74: {  	s23 =	sadd.s32 $0x8000, s31;
	[sflag:s10] =	ssyncadd.s32 $0xFFFFC000  }
0x75: {  	[hbm4b:s23+s2] =	stream.linear.scatter [tilespmem:s7], [sflag:$0x3], $0x4000, $0x38;
	[tilespmem:$0x8800] =	vst v63  }
0x76: {  	_ =	swait.ge [sflag:s3], $0x4000  }
0x77: {  	[sflag:s3] =	ssyncset.done $0x0  }
0x78: {  	s24 =	simm.s32 $0x680;
	[sflag:s3] =	ssyncadd.s32 $0xFFFFC000  }
0x79: {  	[tilespmem:s7], [sflag:$0x2] =	stream.indirect.gather [hbm4b:s4+s5], $0x80, s24, s5, $0xb8;
	[tilespmem:$0x8800] =	vst v63  }
0x7a: {  	_ =	swait.ge [sflag:s8], $0x4000  }
0x7b: {  	[sflag:s8] =	ssyncset.done $0x0  }
0x7c: {  	s25 =	sadd.s32 $0x8800, s31;
	[sflag:s8] =	ssyncadd.s32 $0xFFFFC000  }
0x7d: {  	[hbm4b:s25+s2] =	stream.linear.scatter [tilespmem:s6], [sflag:$0x3], $0x4000, $0x38;
	[tilespmem:$0x8800] =	vst v63  }
0x7e: {  	_ =	swait.ge [sflag:s3], $0x4000  }
0x7f: {  	[sflag:s3] =	ssyncset.done $0x0  }
0x80: {  	s26 =	simm.s32 $0x700;
	[sflag:s3] =	ssyncadd.s32 $0xFFFFC000  }
0x81: {  	[tilespmem:s6], [sflag:$0x1] =	stream.indirect.gather [hbm4b:s4+s5], $0x80, s26, s5, $0xb8;
	[tilespmem:$0x8800] =	vst v63  }
0x82: {  	_ =	swait.ge [sflag:s10], $0x4000  }
0x83: {  	[sflag:s10] =	ssyncset.done $0x0  }
0x84: {  	s28 =	sadd.s32 $0x9000, s31;
	[sflag:s10] =	ssyncadd.s32 $0xFFFFC000  }
0x85: {  	[hbm4b:s28+s2] =	stream.linear.scatter [tilespmem:s7], [sflag:$0x3], $0x4000, $0x38;
	[tilespmem:$0x8800] =	vst v63  }
0x86: {  	_ =	swait.ge [sflag:s3], $0x4000  }
0x87: {  	[sflag:s3] =	ssyncset.done $0x0  }
0x88: {  	s29 =	simm.s32 $0x780;
	[sflag:s3] =	ssyncadd.s32 $0xFFFFC000  }
0x89: {  	[tilespmem:s7], [sflag:$0x2] =	stream.indirect.gather [hbm4b:s4+s5], $0x80, s29, s5, $0xb8;
	[tilespmem:$0x8800] =	vst v63  }
0x8a: {  	_ =	swait.ge [sflag:s8], $0x4000  }
0x8b: {  	s1 =	ssub.s32 $0x2, s1;
	[sflag:s8] =	ssyncset.done $0x0  }
0x8c: {  	s0 =	sshrl.u32 s1, $0x1;
	s30 =	sadd.s32 $0x9800, s31;
	[sflag:s8] =	ssyncadd.s32 $0xFFFFC000  }
0x8d: {  	[hbm4b:s30+s2] =	stream.linear.scatter [tilespmem:s6], [sflag:$0x3], $0x4000, $0x38;
	[tilespmem:$0x8800] =	vst v63  }
0x8e: {  	s0 =	ssub.s32 s1, s0;
	_ =	swait.ge [sflag:s3], $0x4000  }
0x8f: {  	s0 =	smax.u32 s0, $0x1;
	[sflag:s3] =	ssyncset.done $0x0  }
0x90: {  	p0 =	sne.s32 s0, $0x1;
	[sflag:s3] =	ssyncadd.s32 $0xFFFFC000  }
.Ltmp0:
0x91: {  	_ =	swait.ge [sflag:s10], $0x4000;
	(pc) =	sbr.rel @!p0 .LBB2_2-.Ltmp0, $4  }
0x92: {  	[sflag:s10] =	ssyncset.done $0x0  }
0x93: {  	s31 =	sadd.s32 $0xA000, s31;
	[sflag:s10] =	ssyncadd.s32 $0xFFFFC000  }
0x94: {  	[hbm4b:s31+s2] =	stream.linear.scatter [tilespmem:s7], [sflag:$0x3], $0x4000, $0x38;
	[tilespmem:$0x8800] =	vst v63  }
0x95: {  	s1 =	sadd.s32 $0xFFFFFFFF, s0;
	_ =	swait.ge [sflag:s3], $0x4000  }
.LBB2_1:
0x96: {  	[sflag:s3] =	ssyncset.done $0x0  }
0x97: {  	s0 =	rddreg [dreg:$0x2];
	[sflag:s3] =	ssyncadd.s32 $0xFFFFC000  }
0x98: {  	[tilespmem:s2], [sflag:$0x3] =	stream.linear.gather [hbm4b:s0+s2], $0x800, $0x38;
	[tilespmem:$0x8800] =	vst v63  }
0x99: {  	_ =	swait.ge [sflag:s3], $0x800  }
0x9a: {  	[sflag:s3] =	ssyncset.done $0x0  }
0x9b: {  	[sflag:s3] =	ssyncadd.s32 $0xFFFFF800  }
0x9c: {  	[tilespmem:s6], [sflag:$0x1] =	stream.indirect.gather [hbm4b:s4+s5], $0x80, s2, s5, $0xb8;
	[tilespmem:$0x8800] =	vst v63  }
0x9d: {  	_ = 	snop  }
0x9e: {  	[tilespmem:s7], [sflag:$0x2] =	stream.indirect.gather [hbm4b:s4+s5], $0x80, s5, s5, $0xb8;
	[tilespmem:$0x8800] =	vst v63  }
0x9f: {  	_ =	swait.ge [sflag:s8], $0x4000  }
0xa0: {  	[sflag:s8] =	ssyncset.done $0x0  }
0xa1: {  	s0 =	rddreg [dreg:$0x3];
	[sflag:s8] =	ssyncadd.s32 $0xFFFFC000  }
0xa2: {  	[hbm4b:s0+s2] =	stream.linear.scatter [tilespmem:s6], [sflag:$0x3], $0x4000, $0x38;
	[tilespmem:$0x8800] =	vst v63  }
0xa3: {  	_ =	swait.ge [sflag:s3], $0x4000  }
0xa4: {  	[sflag:s3] =	ssyncset.done $0x0  }
0xa5: {  	[sflag:s3] =	ssyncadd.s32 $0xFFFFC000  }
0xa6: {  	[tilespmem:s6], [sflag:$0x1] =	stream.indirect.gather [hbm4b:s4+s5], $0x80, s9, s5, $0xb8;
	[tilespmem:$0x8800] =	vst v63  }
0xa7: {  	_ =	swait.ge [sflag:s10], $0x4000  }
0xa8: {  	[sflag:s10] =	ssyncset.done $0x0  }
0xa9: {  	s0 =	rddreg [dreg:$0x4];
	[sflag:s10] =	ssyncadd.s32 $0xFFFFC000  }
0xaa: {  	[hbm4b:s0+s2] =	stream.linear.scatter [tilespmem:s7], [sflag:$0x3], $0x4000, $0x38;
	[tilespmem:$0x8800] =	vst v63  }
0xab: {  	_ =	swait.ge [sflag:s3], $0x4000  }
0xac: {  	[sflag:s3] =	ssyncset.done $0x0  }
0xad: {  	[sflag:s3] =	ssyncadd.s32 $0xFFFFC000  }
0xae: {  	[tilespmem:s7], [sflag:$0x2] =	stream.indirect.gather [hbm4b:s4+s5], $0x80, s11, s5, $0xb8;
	[tilespmem:$0x8800] =	vst v63  }
0xaf: {  	_ =	swait.ge [sflag:s8], $0x4000  }
0xb0: {  	[sflag:s8] =	ssyncset.done $0x0  }
0xb1: {  	s0 =	rddreg [dreg:$0x5];
	[sflag:s8] =	ssyncadd.s32 $0xFFFFC000  }
0xb2: {  	[hbm4b:s0+s2] =	stream.linear.scatter [tilespmem:s6], [sflag:$0x3], $0x4000, $0x38;
	[tilespmem:$0x8800] =	vst v63  }
0xb3: {  	_ =	swait.ge [sflag:s3], $0x4000  }
0xb4: {  	[sflag:s3] =	ssyncset.done $0x0  }
0xb5: {  	[sflag:s3] =	ssyncadd.s32 $0xFFFFC000  }
0xb6: {  	[tilespmem:s6], [sflag:$0x1] =	stream.indirect.gather [hbm4b:s4+s5], $0x80, s12, s5, $0xb8;
	[tilespmem:$0x8800] =	vst v63  }
0xb7: {  	_ =	swait.ge [sflag:s10], $0x4000  }
0xb8: {  	[sflag:s10] =	ssyncset.done $0x0  }
0xb9: {  	s0 =	rddreg [dreg:$0x6];
	[sflag:s10] =	ssyncadd.s32 $0xFFFFC000  }
0xba: {  	[hbm4b:s0+s2] =	stream.linear.scatter [tilespmem:s7], [sflag:$0x3], $0x4000, $0x38;
	[tilespmem:$0x8800] =	vst v63  }
0xbb: {  	_ =	swait.ge [sflag:s3], $0x4000  }
0xbc: {  	[sflag:s3] =	ssyncset.done $0x0  }
0xbd: {  	[sflag:s3] =	ssyncadd.s32 $0xFFFFC000  }
0xbe: {  	[tilespmem:s7], [sflag:$0x2] =	stream.indirect.gather [hbm4b:s4+s5], $0x80, s13, s5, $0xb8;
	[tilespmem:$0x8800] =	vst v63  }
0xbf: {  	_ =	swait.ge [sflag:s8], $0x4000  }
0xc0: {  	[sflag:s8] =	ssyncset.done $0x0  }
0xc1: {  	s0 =	rddreg [dreg:$0x7];
	[sflag:s8] =	ssyncadd.s32 $0xFFFFC000  }
0xc2: {  	[hbm4b:s0+s2] =	stream.linear.scatter [tilespmem:s6], [sflag:$0x3], $0x4000, $0x38;
	[tilespmem:$0x8800] =	vst v63  }
0xc3: {  	_ =	swait.ge [sflag:s3], $0x4000  }
0xc4: {  	[sflag:s3] =	ssyncset.done $0x0  }
0xc5: {  	[sflag:s3] =	ssyncadd.s32 $0xFFFFC000  }
0xc6: {  	[tilespmem:s6], [sflag:$0x1] =	stream.indirect.gather [hbm4b:s4+s5], $0x80, s14, s5, $0xb8;
	[tilespmem:$0x8800] =	vst v63  }
0xc7: {  	_ =	swait.ge [sflag:s10], $0x4000  }
0xc8: {  	[sflag:s10] =	ssyncset.done $0x0  }
0xc9: {  	s0 =	rddreg [dreg:$0x8];
	[sflag:s10] =	ssyncadd.s32 $0xFFFFC000  }
0xca: {  	[hbm4b:s0+s2] =	stream.linear.scatter [tilespmem:s7], [sflag:$0x3], $0x4000, $0x38;
	[tilespmem:$0x8800] =	vst v63  }
0xcb: {  	_ =	swait.ge [sflag:s3], $0x4000  }
0xcc: {  	[sflag:s3] =	ssyncset.done $0x0  }
0xcd: {  	[sflag:s3] =	ssyncadd.s32 $0xFFFFC000  }
0xce: {  	[tilespmem:s7], [sflag:$0x2] =	stream.indirect.gather [hbm4b:s4+s5], $0x80, s15, s5, $0xb8;
	[tilespmem:$0x8800] =	vst v63  }
0xcf: {  	_ =	swait.ge [sflag:s8], $0x4000  }
0xd0: {  	[sflag:s8] =	ssyncset.done $0x0  }
0xd1: {  	s0 =	rddreg [dreg:$0x9];
	[sflag:s8] =	ssyncadd.s32 $0xFFFFC000  }
0xd2: {  	[hbm4b:s0+s2] =	stream.linear.scatter [tilespmem:s6], [sflag:$0x3], $0x4000, $0x38;
	[tilespmem:$0x8800] =	vst v63  }
0xd3: {  	_ =	swait.ge [sflag:s3], $0x4000  }
0xd4: {  	[sflag:s3] =	ssyncset.done $0x0  }
0xd5: {  	[sflag:s3] =	ssyncadd.s32 $0xFFFFC000  }
0xd6: {  	[tilespmem:s6], [sflag:$0x1] =	stream.indirect.gather [hbm4b:s4+s5], $0x80, s16, s5, $0xb8;
	[tilespmem:$0x8800] =	vst v63  }
0xd7: {  	_ =	swait.ge [sflag:s10], $0x4000  }
0xd8: {  	[sflag:s10] =	ssyncset.done $0x0  }
0xd9: {  	s0 =	rddreg [dreg:$0xa];
	[sflag:s10] =	ssyncadd.s32 $0xFFFFC000  }
0xda: {  	[hbm4b:s0+s2] =	stream.linear.scatter [tilespmem:s7], [sflag:$0x3], $0x4000, $0x38;
	[tilespmem:$0x8800] =	vst v63  }
0xdb: {  	_ =	swait.ge [sflag:s3], $0x4000  }
0xdc: {  	[sflag:s3] =	ssyncset.done $0x0  }
0xdd: {  	[sflag:s3] =	ssyncadd.s32 $0xFFFFC000  }
0xde: {  	[tilespmem:s7], [sflag:$0x2] =	stream.indirect.gather [hbm4b:s4+s5], $0x80, s17, s5, $0xb8;
	[tilespmem:$0x8800] =	vst v63  }
0xdf: {  	_ =	swait.ge [sflag:s8], $0x4000  }
0xe0: {  	[sflag:s8] =	ssyncset.done $0x0  }
0xe1: {  	s0 =	rddreg [dreg:$0xb];
	[sflag:s8] =	ssyncadd.s32 $0xFFFFC000  }
0xe2: {  	[hbm4b:s0+s2] =	stream.linear.scatter [tilespmem:s6], [sflag:$0x3], $0x4000, $0x38;
	[tilespmem:$0x8800] =	vst v63  }
0xe3: {  	_ =	swait.ge [sflag:s3], $0x4000  }
0xe4: {  	[sflag:s3] =	ssyncset.done $0x0  }
0xe5: {  	[sflag:s3] =	ssyncadd.s32 $0xFFFFC000  }
0xe6: {  	[tilespmem:s6], [sflag:$0x1] =	stream.indirect.gather [hbm4b:s4+s5], $0x80, s18, s5, $0xb8;
	[tilespmem:$0x8800] =	vst v63  }
0xe7: {  	_ =	swait.ge [sflag:s10], $0x4000  }
0xe8: {  	[sflag:s10] =	ssyncset.done $0x0  }
0xe9: {  	[sflag:s10] =	ssyncadd.s32 $0xFFFFC000  }
0xea: {  	[hbm4b:s19+s2] =	stream.linear.scatter [tilespmem:s7], [sflag:$0x3], $0x4000, $0x38;
	[tilespmem:$0x8800] =	vst v63  }
0xeb: {  	_ =	swait.ge [sflag:s3], $0x4000  }
0xec: {  	[sflag:s3] =	ssyncset.done $0x0  }
0xed: {  	[sflag:s3] =	ssyncadd.s32 $0xFFFFC000  }
0xee: {  	[tilespmem:s7], [sflag:$0x2] =	stream.indirect.gather [hbm4b:s4+s5], $0x80, s20, s5, $0xb8;
	[tilespmem:$0x8800] =	vst v63  }
0xef: {  	_ =	swait.ge [sflag:s8], $0x4000  }
0xf0: {  	[sflag:s8] =	ssyncset.done $0x0  }
0xf1: {  	[sflag:s8] =	ssyncadd.s32 $0xFFFFC000  }
0xf2: {  	[hbm4b:s21+s2] =	stream.linear.scatter [tilespmem:s6], [sflag:$0x3], $0x4000, $0x38;
	[tilespmem:$0x8800] =	vst v63  }
0xf3: {  	_ =	swait.ge [sflag:s3], $0x4000  }
0xf4: {  	[sflag:s3] =	ssyncset.done $0x0  }
0xf5: {  	[sflag:s3] =	ssyncadd.s32 $0xFFFFC000  }
0xf6: {  	[tilespmem:s6], [sflag:$0x1] =	stream.indirect.gather [hbm4b:s4+s5], $0x80, s22, s5, $0xb8;
	[tilespmem:$0x8800] =	vst v63  }
0xf7: {  	_ =	swait.ge [sflag:s10], $0x4000  }
0xf8: {  	[sflag:s10] =	ssyncset.done $0x0  }
0xf9: {  	[sflag:s10] =	ssyncadd.s32 $0xFFFFC000  }
0xfa: {  	[hbm4b:s23+s2] =	stream.linear.scatter [tilespmem:s7], [sflag:$0x3], $0x4000, $0x38;
	[tilespmem:$0x8800] =	vst v63  }
0xfb: {  	_ =	swait.ge [sflag:s3], $0x4000  }
0xfc: {  	[sflag:s3] =	ssyncset.done $0x0  }
0xfd: {  	[sflag:s3] =	ssyncadd.s32 $0xFFFFC000  }
0xfe: {  	[tilespmem:s7], [sflag:$0x2] =	stream.indirect.gather [hbm4b:s4+s5], $0x80, s24, s5, $0xb8;
	[tilespmem:$0x8800] =	vst v63  }
0xff: {  	_ =	swait.ge [sflag:s8], $0x4000  }
0x100: {  	[sflag:s8] =	ssyncset.done $0x0  }
0x101: {  	[sflag:s8] =	ssyncadd.s32 $0xFFFFC000  }
0x102: {  	[hbm4b:s25+s2] =	stream.linear.scatter [tilespmem:s6], [sflag:$0x3], $0x4000, $0x38;
	[tilespmem:$0x8800] =	vst v63  }
0x103: {  	_ =	swait.ge [sflag:s3], $0x4000  }
0x104: {  	[sflag:s3] =	ssyncset.done $0x0  }
0x105: {  	[sflag:s3] =	ssyncadd.s32 $0xFFFFC000  }
0x106: {  	[tilespmem:s6], [sflag:$0x1] =	stream.indirect.gather [hbm4b:s4+s5], $0x80, s26, s5, $0xb8;
	[tilespmem:$0x8800] =	vst v63  }
0x107: {  	_ =	swait.ge [sflag:s10], $0x4000  }
0x108: {  	[sflag:s10] =	ssyncset.done $0x0  }
0x109: {  	[sflag:s10] =	ssyncadd.s32 $0xFFFFC000  }
0x10a: {  	[hbm4b:s28+s2] =	stream.linear.scatter [tilespmem:s7], [sflag:$0x3], $0x4000, $0x38;
	[tilespmem:$0x8800] =	vst v63  }
0x10b: {  	_ =	swait.ge [sflag:s3], $0x4000  }
0x10c: {  	[sflag:s3] =	ssyncset.done $0x0  }
0x10d: {  	[sflag:s3] =	ssyncadd.s32 $0xFFFFC000  }
0x10e: {  	[tilespmem:s7], [sflag:$0x2] =	stream.indirect.gather [hbm4b:s4+s5], $0x80, s29, s5, $0xb8;
	[tilespmem:$0x8800] =	vst v63  }
0x10f: {  	_ =	swait.ge [sflag:s8], $0x4000  }
0x110: {  	[sflag:s8] =	ssyncset.done $0x0  }
0x111: {  	[sflag:s8] =	ssyncadd.s32 $0xFFFFC000  }
0x112: {  	[hbm4b:s30+s2] =	stream.linear.scatter [tilespmem:s6], [sflag:$0x3], $0x4000, $0x38;
	[tilespmem:$0x8800] =	vst v63  }
0x113: {  	_ =	swait.ge [sflag:s3], $0x4000  }
0x114: {  	[sflag:s3] =	ssyncset.done $0x0  }
0x115: {  	p0 =	sne.s32 s1, $0x1;
	[sflag:s3] =	ssyncadd.s32 $0xFFFFC000  }
.Ltmp1:
0x116: {  	_ =	swait.ge [sflag:s10], $0x4000;
	(pc) =	sbr.rel @p0 .LBB2_1-.Ltmp1, $4  }
0x117: {  	[sflag:s10] =	ssyncset.done $0x0  }
0x118: {  	[sflag:s10] =	ssyncadd.s32 $0xFFFFC000  }
0x119: {  	[hbm4b:s31+s2] =	stream.linear.scatter [tilespmem:s7], [sflag:$0x3], $0x4000, $0x38;
	[tilespmem:$0x8800] =	vst v63  }
0x11a: {  	s1 =	sadd.s32 $0xFFFFFFFF, s1;
	_ =	swait.ge [sflag:s3], $0x4000  }
.LBB2_2:
0x11b: {  	[sflag:s3] =	ssyncset.done $0x0  }
0x11c: {  	[sflag:s3] =	ssyncadd.s32 $0xFFFFC000  }
0x11d: {  	_ =	sfence.sel $0x180000  }
0x11e: {  	[bflag:$0x0] =	sbarrier.arrive $0xFFFF  }
0x11f: {  	_ =	strace $0x90000047  }
0x120: {  	s0 =	stileid.u32;
	[bflag:$0x2] =	sbarrier.arrive $0xFFFF  }
0x121: {  	p0 =	sne.s32 s0, $0x0;
	s0 =	rddreg [dreg:$0x1]  }
0x122: {  	s0 =	sadd.s32 @!p0 $0x100000, s0  }
0x123: {  	[sflag:s0] =	ssyncadd.tile.s32 @!p0 $0x1;
	_ =	shalt  }
.Lfunc_end2:
_tile_overlayer_lowered:
.L_overlay_start_2:
0x124: {  	(tag) =	ssettag $0x2  }
0x125: {  	s0 =	rddreg [dreg:$0x0];
	s2 =	stileid.u32  }
0x126: {  	s1 =	rddreg [dreg:$0x1];
	p0 =	sne.s32 s2, $0x0  }
0x127: {  	s3 =	rddreg [dreg:$0x2];
	[bflag:$0x3] =	sbarrier.arrive $0xFFFF;
	s2 =	simm.s32 @!p0 $0x1C03  }
0x128: {  	[timem:s3], [sflag:s2] =	dma.local @!p0 [hbm:s0], s1  }
0x129: {  	s0 =	simm.s32 @!p0 $0x3  }
0x12a: {  	_ =	swait.ge @!p0 [sflag:s0], s1  }
0x12b: {  	s1 =	ssub.s32 @!p0 $0x0, s1;
	[sflag:s0] =	ssyncset.done @!p0 $0x0  }
0x12c: {  	[sflag:s0] =	ssyncadd.s32 @!p0 s1  }
0x12d: {  	[bflag:$0x3] =	sbarrier.arrive $0xFFFF  }
0x12e: {  	_ =	shalt  }

</sc_bundles>
